<compile_context>
chip_gen: v7x
topology: tpu7x:2x2x1
jax: 0.10.2.dev20260603
libtpu: 0.0.44.dev20260713+nightly
codegen_flags: <defaults>
</compile_context>

<pallas_src>
import functools
import math

import jax
import jax.numpy as jnp
import numpy as np
from jax import lax
from jax.experimental import pallas as pl
from jax.experimental.pallas import tpu as pltpu
from jax.experimental.pallas import tpu_sc as plsc

VOCAB = 100000
D_MODEL = 2048
LANES = 16
NUM_CORES = 2
NUM_SUBCORES = 16
NUM_WORKERS = NUM_CORES * NUM_SUBCORES
SCALE = np.float32(math.sqrt(D_MODEL))

CHUNK = 8
NBUF = 4
LEAD = 2
VECS_PER_ROW = D_MODEL // LANES


def _scale_chunk(buf):
    @plsc.parallel_loop(0, D_MODEL, LANES, unroll=2)
    def _(c):
        sl = pl.ds(c, LANES)
        for r in range(CHUNK):
            buf[r, sl] = buf[r, sl] * SCALE


def _make_lookup(total_rows):
    assert total_rows % NUM_WORKERS == 0
    rows_per_w = total_rows // NUM_WORKERS
    assert rows_per_w % CHUNK == 0
    n_chunks = rows_per_w // CHUNK
    assert n_chunks % NBUF == 0 and n_chunks >= NBUF

    mesh = plsc.VectorSubcoreMesh(core_axis_name="c", subcore_axis_name="s")

    @functools.partial(
        pl.kernel,
        mesh=mesh,
        out_type=jax.ShapeDtypeStruct((total_rows, D_MODEL), jnp.float32),
        scratch_types=[
            pltpu.VMEM((rows_per_w,), jnp.int32),
        ] + [pltpu.VMEM((CHUNK, D_MODEL), jnp.float32)] * NBUF
          + [pltpu.SemaphoreType.DMA] * (2 * NBUF),
    )
    def lookup(seq_hbm, table_hbm, out_hbm, idx_v, *rest):
        bufs = rest[:NBUF]
        gsems = rest[NBUF:2 * NBUF]
        ssems = rest[2 * NBUF:]

        wid = lax.axis_index("s") * NUM_CORES + lax.axis_index("c")
        base = wid * rows_per_w
        pltpu.sync_copy(seq_hbm.at[pl.ds(base, rows_per_w)], idx_v)

        def gather_start(g, b):
            pltpu.make_async_copy(
                table_hbm.at[idx_v.at[pl.ds(g * CHUNK, CHUNK)]],
                bufs[b], gsems[b],
            ).start()

        def gather_wait(b):
            pltpu.make_async_copy(
                table_hbm.at[idx_v.at[pl.ds(0, CHUNK)]], bufs[b], gsems[b]
            ).wait()

        def store_start(g, b):
            pltpu.make_async_copy(
                bufs[b], out_hbm.at[pl.ds(base + g * CHUNK, CHUNK)], ssems[b]
            ).start()

        def store_wait(b):
            pltpu.make_async_copy(
                bufs[b], out_hbm.at[pl.ds(base, CHUNK)], ssems[b]
            ).wait()

        for b in range(LEAD):
            gather_start(b, b)

        def outer(i, _):
            for b in range(NBUF):
                g = NBUF * i + b
                h = g + LEAD
                bh = (b + LEAD) % NBUF

                @pl.when(h < n_chunks)
                def _():
                    @pl.when(h >= NBUF)
                    def _():
                        store_wait(bh)
                    gather_start(h, bh)

                gather_wait(b)
                _scale_chunk(bufs[b])
                store_start(g, b)
            return 0

        lax.fori_loop(0, n_chunks // NBUF, outer, 0)

        for b in range(NBUF):
            store_wait(b)

    return lookup


def kernel(sequence, table):
    seq_flat = sequence.reshape(-1).astype(jnp.int32)
    total_rows = seq_flat.shape[0]
    out = _make_lookup(total_rows)(seq_flat, table)
    return out.reshape(*sequence.shape, D_MODEL)

# --- scband reference (transcript-rebuilt; emitter-appended) ---
"""Pipeline reference for scband-embedding-transformer-17849884082512 (READ-ONLY COPY).

The authoritative reference and input builder live on the scoring server;
editing this copy changes nothing except your own understanding.
"""

import jax, jax.numpy as jnp
import numpy as np
import math

VOCAB = 100000
D_MODEL = 2048

def setup_inputs(seed: int = 0) -> dict:
    key = jax.random.key(seed)
    k_seq, k_tab = jax.random.split(key)
    sequence = jax.random.randint(k_seq, (4, 8192), 0, VOCAB, dtype=jnp.int64 if jax.config.jax_enable_x64 else jnp.int32)
    table = jax.random.normal(k_tab, (VOCAB, D_MODEL), dtype=jnp.float32)
    return {"sequence": sequence, "table": table}

def reference(sequence, table):
    # Embedding lookup scaled by sqrt(d_model), as in the original forward
    emb = jnp.take(table, sequence, axis=0)
    return emb * math.sqrt(D_MODEL)

if __name__ == "__main__":
    import jax
    _d = setup_inputs()
    print(jax.jit(kernel)(*tuple(_d.values())))

</pallas_src>

<mosaic_0001>
#map = affine_map<(d0, d1) -> (0)>
#map1 = affine_map<(d0, d1) -> (0, 0)>
module attributes {stable_mosaic.version = 14 : i64} {
  func.func @lookup(%arg0: i32, %arg1: i32, %arg2: memref<32768xi32, #tpu.memory_space<hbm>>, %arg3: memref<100000x2048xf32, #tpu.memory_space<hbm>>, %arg4: memref<32768x2048xf32, #tpu.memory_space<hbm>>, %arg5: memref<1024xi32, #tpu.memory_space<vmem>>, %arg6: memref<8x2048xf32, #tpu.memory_space<vmem>>, %arg7: memref<8x2048xf32, #tpu.memory_space<vmem>>, %arg8: memref<8x2048xf32, #tpu.memory_space<vmem>>, %arg9: memref<8x2048xf32, #tpu.memory_space<vmem>>, %arg10: memref<!tpu.dma_semaphore, #tpu.memory_space<semaphore_mem>>, %arg11: memref<!tpu.dma_semaphore, #tpu.memory_space<semaphore_mem>>, %arg12: memref<!tpu.dma_semaphore, #tpu.memory_space<semaphore_mem>>, %arg13: memref<!tpu.dma_semaphore, #tpu.memory_space<semaphore_mem>>, %arg14: memref<!tpu.dma_semaphore, #tpu.memory_space<semaphore_mem>>, %arg15: memref<!tpu.dma_semaphore, #tpu.memory_space<semaphore_mem>>, %arg16: memref<!tpu.dma_semaphore, #tpu.memory_space<semaphore_mem>>, %arg17: memref<!tpu.dma_semaphore, #tpu.memory_space<semaphore_mem>>) attributes {dimension_semantics = [#tpu.dimension_semantics<core_parallel>, #tpu.dimension_semantics<subcore_parallel>], iteration_bounds = array<i64: 2, 16>, scalar_prefetch = 0 : i64, scratch_operands = 13 : i64, tpu.core_type = #tpu.core_type<sc_vector_subcore>, window_params = [{transform_indices = #map}, {transform_indices = #map1}, {transform_indices = #map1}]} {
    %mul3A = arith.constant 2 : i32
    %mul3A_0 = arith.muli %arg1, %mul3A : i32
    %add3A = arith.addi %mul3A_0, %arg0 : i32
    %mul3A_1 = arith.constant 1024 : i32
    %mul3A_2 = arith.muli %add3A, %mul3A_1 : i32
    "tpu.region"() ({
      %run_scoped3A = tpu.sem_alloc : memref<!tpu.dma_semaphore, #tpu.memory_space<semaphore_mem>>
      %dma_start3A_33 = tpu.memref_slice %arg2[%mul3A_2] : memref<32768xi32, #tpu.memory_space<hbm>> -> memref<1024xi32, #tpu.memory_space<hbm>>
      %dma_start3A_34 = tpu.memref_slice %arg2[%mul3A_2] : memref<32768xi32, #tpu.memory_space<hbm>> -> memref<1024xi32, #tpu.memory_space<hbm>>
      tpu.enqueue_dma source(%dma_start3A_34 : memref<1024xi32, #tpu.memory_space<hbm>>) target(%arg5 : memref<1024xi32, #tpu.memory_space<vmem>>) target_semaphore(%run_scoped3A : memref<!tpu.dma_semaphore, #tpu.memory_space<semaphore_mem>>)
      %dma_wait3A_35 = tpu.memref_slice %arg2[%mul3A_2] : memref<32768xi32, #tpu.memory_space<hbm>> -> memref<1024xi32, #tpu.memory_space<hbm>>
      %dma_wait3A_36 = tpu.memref_slice %arg2[%mul3A_2] : memref<32768xi32, #tpu.memory_space<hbm>> -> memref<1024xi32, #tpu.memory_space<hbm>>
      tpu.wait_dma2 semaphore(%run_scoped3A : memref<!tpu.dma_semaphore, #tpu.memory_space<semaphore_mem>>) src(%dma_wait3A_36 : memref<1024xi32, #tpu.memory_space<hbm>>) dst(%arg5 : memref<1024xi32, #tpu.memory_space<vmem>>)
      tpu.yield
    }) : () -> ()
    %dma_start3A = arith.constant 0 : i32
    %dma_start3A_3 = tpu.memref_slice %arg5[%dma_start3A] : memref<1024xi32, #tpu.memory_space<vmem>> -> memref<8xi32, #tpu.memory_space<vmem>>
    %dma_start3A_4 = arith.constant 0 : i32
    %dma_start3A_5 = arith.constant 0 : i32
    %dma_start3A_6 = tpu.memref_slice %arg3[%dma_start3A_4, %dma_start3A_5] : memref<100000x2048xf32, #tpu.memory_space<hbm>> -> memref<100000x2048xf32, #tpu.memory_space<hbm>>
    tpu.enqueue_indirect_dma source(%dma_start3A_6 : memref<100000x2048xf32, #tpu.memory_space<hbm>>) target(%arg6 : memref<8x2048xf32, #tpu.memory_space<vmem>>) offsets(%dma_start3A_3 : memref<8xi32, #tpu.memory_space<vmem>>) semaphore(%arg10 : memref<!tpu.dma_semaphore, #tpu.memory_space<semaphore_mem>>)
    %dma_start3A_7 = arith.constant 8 : i32
    %dma_start3A_8 = tpu.memref_slice %arg5[%dma_start3A_7] : memref<1024xi32, #tpu.memory_space<vmem>> -> memref<8xi32, #tpu.memory_space<vmem>>
    %dma_start3A_9 = arith.constant 0 : i32
    %dma_start3A_10 = arith.constant 0 : i32
    %dma_start3A_11 = tpu.memref_slice %arg3[%dma_start3A_9, %dma_start3A_10] : memref<100000x2048xf32, #tpu.memory_space<hbm>> -> memref<100000x2048xf32, #tpu.memory_space<hbm>>
    tpu.enqueue_indirect_dma source(%dma_start3A_11 : memref<100000x2048xf32, #tpu.memory_space<hbm>>) target(%arg7 : memref<8x2048xf32, #tpu.memory_space<vmem>>) offsets(%dma_start3A_8 : memref<8xi32, #tpu.memory_space<vmem>>) semaphore(%arg11 : memref<!tpu.dma_semaphore, #tpu.memory_space<semaphore_mem>>)
    %scan3A = arith.constant 0 : i32
    %scan3A_12 = arith.constant 0 : i32
    %scan3A_13 = arith.constant 32 : i32
    %scan3A_14 = arith.addi %scan3A_12, %scan3A_13 : i32
    %scan3A_15 = arith.constant 1 : i32
    %scan3A_16 = scf.for %scan3A_33 = %scan3A_12 to %scan3A_14 step %scan3A_15 iter_args(%scan3A_34 = %scan3A) -> (i32)  : i32 {
      %mul3A_35 = arith.constant 4 : i32
      %mul3A_36 = arith.muli %mul3A_35, %scan3A_33 : i32
      %add3A_37 = arith.constant 0 : i32
      %add3A_38 = arith.addi %mul3A_36, %add3A_37 : i32
      %add3A_39 = arith.constant 2 : i32
      %add3A_40 = arith.addi %add3A_38, %add3A_39 : i32
      %lt3A = arith.constant 128 : i32
      %lt3A_41 = arith.cmpi slt, %add3A_40, %lt3A : i32
      %convert_element_type3A = arith.extui %lt3A_41 : i1 to i32
      %cond3A = arith.constant 0 : i32
      %cond3A_42 = arith.cmpi ne, %convert_element_type3A, %cond3A : i32
      scf.if %cond3A_42 {
        %ge3A = arith.constant 4 : i32
        %ge3A_136 = arith.cmpi sge, %add3A_40, %ge3A : i32
        %convert_element_type3A_137 = arith.extui %ge3A_136 : i1 to i32
        %cond3A_138 = arith.constant 0 : i32
        %cond3A_139 = arith.cmpi ne, %convert_element_type3A_137, %cond3A_138 : i32
        scf.if %cond3A_139 {
          %dma_wait3A_146 = arith.constant 0 : i32
          %dma_wait3A_147 = tpu.memref_slice %arg4[%mul3A_2, %dma_wait3A_146] : memref<32768x2048xf32, #tpu.memory_space<hbm>> -> memref<8x2048xf32, #tpu.memory_space<hbm>>
          %dma_wait3A_148 = arith.constant 0 : i32
          %dma_wait3A_149 = tpu.memref_slice %arg4[%mul3A_2, %dma_wait3A_148] : memref<32768x2048xf32, #tpu.memory_space<hbm>> -> memref<8x2048xf32, #tpu.memory_space<hbm>>
          tpu.wait_dma2 semaphore(%arg16 : memref<!tpu.dma_semaphore, #tpu.memory_space<semaphore_mem>>) src(%arg8 : memref<8x2048xf32, #tpu.memory_space<vmem>>) dst(%dma_wait3A_149 : memref<8x2048xf32, #tpu.memory_space<hbm>>)
        } else {
        }
        %mul3A_140 = arith.constant 8 : i32
        %mul3A_141 = arith.muli %add3A_40, %mul3A_140 : i32
        %dma_start3A_142 = tpu.memref_slice %arg5[%mul3A_141] : memref<1024xi32, #tpu.memory_space<vmem>> -> memref<8xi32, #tpu.memory_space<vmem>>
        %dma_start3A_143 = arith.constant 0 : i32
        %dma_start3A_144 = arith.constant 0 : i32
        %dma_start3A_145 = tpu.memref_slice %arg3[%dma_start3A_143, %dma_start3A_144] : memref<100000x2048xf32, #tpu.memory_space<hbm>> -> memref<100000x2048xf32, #tpu.memory_space<hbm>>
        tpu.enqueue_indirect_dma source(%dma_start3A_145 : memref<100000x2048xf32, #tpu.memory_space<hbm>>) target(%arg8 : memref<8x2048xf32, #tpu.memory_space<vmem>>) offsets(%dma_start3A_142 : memref<8xi32, #tpu.memory_space<vmem>>) semaphore(%arg12 : memref<!tpu.dma_semaphore, #tpu.memory_space<semaphore_mem>>)
      } else {
      }
      %dma_wait3A_43 = arith.constant 0 : i32
      %dma_wait3A_44 = tpu.memref_slice %arg5[%dma_wait3A_43] : memref<1024xi32, #tpu.memory_space<vmem>> -> memref<8xi32, #tpu.memory_space<vmem>>
      %dma_wait3A_45 = arith.constant 0 : i32
      %dma_wait3A_46 = arith.constant 0 : i32
      %dma_wait3A_47 = tpu.memref_slice %arg3[%dma_wait3A_45, %dma_wait3A_46] : memref<100000x2048xf32, #tpu.memory_space<hbm>> -> memref<100000x2048xf32, #tpu.memory_space<hbm>>
      tpu.wait_indirect_dma semaphore(%arg10 : memref<!tpu.dma_semaphore, #tpu.memory_space<semaphore_mem>>) src(%dma_wait3A_47 : memref<100000x2048xf32, #tpu.memory_space<hbm>>) dst(%arg6 : memref<8x2048xf32, #tpu.memory_space<vmem>>)
      %parallel_loop3A = arith.constant 0 : i32
      %parallel_loop3A_48 = arith.constant 2048 : i32
      %parallel_loop3A_49 = arith.constant 16 : i32
      scf.for %parallel_loop3A_136 = %parallel_loop3A to %parallel_loop3A_48 step %parallel_loop3A_49  : i32 {
        %parallel_loop3A_137 = arith.constant 0 : i32
        %parallel_loop3A_138 = arith.index_cast %parallel_loop3A_137 : i32 to index
        %parallel_loop3A_139 = arith.index_cast %parallel_loop3A_136 : i32 to index
        %parallel_loop3A_140 = tpu.vector_load %arg6[%parallel_loop3A_138, %parallel_loop3A_139] {strides = array<i32>} : memref<8x2048xf32, #tpu.memory_space<vmem>>, vector<1x16xf32>,
        %parallel_loop3A_141 = vector.shape_cast %parallel_loop3A_140 : vector<1x16xf32> to vector<16xf32>
        %parallel_loop3A_142 = arith.constant 45.2548332 : f32
        %parallel_loop3A_143 = vector.broadcast %parallel_loop3A_142 : f32 to vector<16xf32>
        %parallel_loop3A_144 = arith.mulf %parallel_loop3A_141, %parallel_loop3A_143 : vector<16xf32>
        %parallel_loop3A_145 = arith.constant 0 : i32
        %parallel_loop3A_146 = arith.index_cast %parallel_loop3A_145 : i32 to index
        %parallel_loop3A_147 = arith.index_cast %parallel_loop3A_136 : i32 to index
        %parallel_loop3A_148 = tpu.vector_load %arg6[%parallel_loop3A_146, %parallel_loop3A_147] {strides = array<i32>} : memref<8x2048xf32, #tpu.memory_space<vmem>>, vector<1x16xf32>,
        %parallel_loop3A_149 = vector.shape_cast %parallel_loop3A_148 : vector<1x16xf32> to vector<16xf32>
        %parallel_loop3A_150 = vector.shape_cast %parallel_loop3A_144 : vector<16xf32> to vector<1x16xf32>
        tpu.vector_store %arg6[%parallel_loop3A_146, %parallel_loop3A_147], %parallel_loop3A_150 {strides = array<i32>} : memref<8x2048xf32, #tpu.memory_space<vmem>>, vector<1x16xf32>,
        %parallel_loop3A_151 = arith.constant 1 : i32
        %parallel_loop3A_152 = arith.index_cast %parallel_loop3A_151 : i32 to index
        %parallel_loop3A_153 = arith.index_cast %parallel_loop3A_136 : i32 to index
        %parallel_loop3A_154 = tpu.vector_load %arg6[%parallel_loop3A_152, %parallel_loop3A_153] {strides = array<i32>} : memref<8x2048xf32, #tpu.memory_space<vmem>>, vector<1x16xf32>,
        %parallel_loop3A_155 = vector.shape_cast %parallel_loop3A_154 : vector<1x16xf32> to vector<16xf32>
        %parallel_loop3A_156 = arith.constant 45.2548332 : f32
        %parallel_loop3A_157 = vector.broadcast %parallel_loop3A_156 : f32 to vector<16xf32>
        %parallel_loop3A_158 = arith.mulf %parallel_loop3A_155, %parallel_loop3A_157 : vector<16xf32>
        %parallel_loop3A_159 = arith.constant 1 : i32
        %parallel_loop3A_160 = arith.index_cast %parallel_loop3A_159 : i32 to index
        %parallel_loop3A_161 = arith.index_cast %parallel_loop3A_136 : i32 to index
        %parallel_loop3A_162 = tpu.vector_load %arg6[%parallel_loop3A_160, %parallel_loop3A_161] {strides = array<i32>} : memref<8x2048xf32, #tpu.memory_space<vmem>>, vector<1x16xf32>,
        %parallel_loop3A_163 = vector.shape_cast %parallel_loop3A_162 : vector<1x16xf32> to vector<16xf32>
        %parallel_loop3A_164 = vector.shape_cast %parallel_loop3A_158 : vector<16xf32> to vector<1x16xf32>
        tpu.vector_store %arg6[%parallel_loop3A_160, %parallel_loop3A_161], %parallel_loop3A_164 {strides = array<i32>} : memref<8x2048xf32, #tpu.memory_space<vmem>>, vector<1x16xf32>,
        %parallel_loop3A_165 = arith.constant 2 : i32
        %parallel_loop3A_166 = arith.index_cast %parallel_loop3A_165 : i32 to index
        %parallel_loop3A_167 = arith.index_cast %parallel_loop3A_136 : i32 to index
        %parallel_loop3A_168 = tpu.vector_load %arg6[%parallel_loop3A_166, %parallel_loop3A_167] {strides = array<i32>} : memref<8x2048xf32, #tpu.memory_space<vmem>>, vector<1x16xf32>,
        %parallel_loop3A_169 = vector.shape_cast %parallel_loop3A_168 : vector<1x16xf32> to vector<16xf32>
        %parallel_loop3A_170 = arith.constant 45.2548332 : f32
        %parallel_loop3A_171 = vector.broadcast %parallel_loop3A_170 : f32 to vector<16xf32>
        %parallel_loop3A_172 = arith.mulf %parallel_loop3A_169, %parallel_loop3A_171 : vector<16xf32>
        %parallel_loop3A_173 = arith.constant 2 : i32
        %parallel_loop3A_174 = arith.index_cast %parallel_loop3A_173 : i32 to index
        %parallel_loop3A_175 = arith.index_cast %parallel_loop3A_136 : i32 to index
        %parallel_loop3A_176 = tpu.vector_load %arg6[%parallel_loop3A_174, %parallel_loop3A_175] {strides = array<i32>} : memref<8x2048xf32, #tpu.memory_space<vmem>>, vector<1x16xf32>,
        %parallel_loop3A_177 = vector.shape_cast %parallel_loop3A_176 : vector<1x16xf32> to vector<16xf32>
        %parallel_loop3A_178 = vector.shape_cast %parallel_loop3A_172 : vector<16xf32> to vector<1x16xf32>
        tpu.vector_store %arg6[%parallel_loop3A_174, %parallel_loop3A_175], %parallel_loop3A_178 {strides = array<i32>} : memref<8x2048xf32, #tpu.memory_space<vmem>>, vector<1x16xf32>,
        %parallel_loop3A_179 = arith.constant 3 : i32
        %parallel_loop3A_180 = arith.index_cast %parallel_loop3A_179 : i32 to index
        %parallel_loop3A_181 = arith.index_cast %parallel_loop3A_136 : i32 to index
        %parallel_loop3A_182 = tpu.vector_load %arg6[%parallel_loop3A_180, %parallel_loop3A_181] {strides = array<i32>} : memref<8x2048xf32, #tpu.memory_space<vmem>>, vector<1x16xf32>,
        %parallel_loop3A_183 = vector.shape_cast %parallel_loop3A_182 : vector<1x16xf32> to vector<16xf32>
        %parallel_loop3A_184 = arith.constant 45.2548332 : f32
        %parallel_loop3A_185 = vector.broadcast %parallel_loop3A_184 : f32 to vector<16xf32>
        %parallel_loop3A_186 = arith.mulf %parallel_loop3A_183, %parallel_loop3A_185 : vector<16xf32>
        %parallel_loop3A_187 = arith.constant 3 : i32
        %parallel_loop3A_188 = arith.index_cast %parallel_loop3A_187 : i32 to index
        %parallel_loop3A_189 = arith.index_cast %parallel_loop3A_136 : i32 to index
        %parallel_loop3A_190 = tpu.vector_load %arg6[%parallel_loop3A_188, %parallel_loop3A_189] {strides = array<i32>} : memref<8x2048xf32, #tpu.memory_space<vmem>>, vector<1x16xf32>,
        %parallel_loop3A_191 = vector.shape_cast %parallel_loop3A_190 : vector<1x16xf32> to vector<16xf32>
        %parallel_loop3A_192 = vector.shape_cast %parallel_loop3A_186 : vector<16xf32> to vector<1x16xf32>
        tpu.vector_store %arg6[%parallel_loop3A_188, %parallel_loop3A_189], %parallel_loop3A_192 {strides = array<i32>} : memref<8x2048xf32, #tpu.memory_space<vmem>>, vector<1x16xf32>,
        %parallel_loop3A_193 = arith.constant 4 : i32
        %parallel_loop3A_194 = arith.index_cast %parallel_loop3A_193 : i32 to index
        %parallel_loop3A_195 = arith.index_cast %parallel_loop3A_136 : i32 to index
        %parallel_loop3A_196 = tpu.vector_load %arg6[%parallel_loop3A_194, %parallel_loop3A_195] {strides = array<i32>} : memref<8x2048xf32, #tpu.memory_space<vmem>>, vector<1x16xf32>,
        %parallel_loop3A_197 = vector.shape_cast %parallel_loop3A_196 : vector<1x16xf32> to vector<16xf32>
        %parallel_loop3A_198 = arith.constant 45.2548332 : f32
        %parallel_loop3A_199 = vector.broadcast %parallel_loop3A_198 : f32 to vector<16xf32>
        %parallel_loop3A_200 = arith.mulf %parallel_loop3A_197, %parallel_loop3A_199 : vector<16xf32>
        %parallel_loop3A_201 = arith.constant 4 : i32
        %parallel_loop3A_202 = arith.index_cast %parallel_loop3A_201 : i32 to index
        %parallel_loop3A_203 = arith.index_cast %parallel_loop3A_136 : i32 to index
        %parallel_loop3A_204 = tpu.vector_load %arg6[%parallel_loop3A_202, %parallel_loop3A_203] {strides = array<i32>} : memref<8x2048xf32, #tpu.memory_space<vmem>>, vector<1x16xf32>,
        %parallel_loop3A_205 = vector.shape_cast %parallel_loop3A_204 : vector<1x16xf32> to vector<16xf32>
        %parallel_loop3A_206 = vector.shape_cast %parallel_loop3A_200 : vector<16xf32> to vector<1x16xf32>
        tpu.vector_store %arg6[%parallel_loop3A_202, %parallel_loop3A_203], %parallel_loop3A_206 {strides = array<i32>} : memref<8x2048xf32, #tpu.memory_space<vmem>>, vector<1x16xf32>,
        %parallel_loop3A_207 = arith.constant 5 : i32
        %parallel_loop3A_208 = arith.index_cast %parallel_loop3A_207 : i32 to index
        %parallel_loop3A_209 = arith.index_cast %parallel_loop3A_136 : i32 to index
        %parallel_loop3A_210 = tpu.vector_load %arg6[%parallel_loop3A_208, %parallel_loop3A_209] {strides = array<i32>} : memref<8x2048xf32, #tpu.memory_space<vmem>>, vector<1x16xf32>,
        %parallel_loop3A_211 = vector.shape_cast %parallel_loop3A_210 : vector<1x16xf32> to vector<16xf32>
        %parallel_loop3A_212 = arith.constant 45.2548332 : f32
        %parallel_loop3A_213 = vector.broadcast %parallel_loop3A_212 : f32 to vector<16xf32>
        %parallel_loop3A_214 = arith.mulf %parallel_loop3A_211, %parallel_loop3A_213 : vector<16xf32>
        %parallel_loop3A_215 = arith.constant 5 : i32
        %parallel_loop3A_216 = arith.index_cast %parallel_loop3A_215 : i32 to index
        %parallel_loop3A_217 = arith.index_cast %parallel_loop3A_136 : i32 to index
        %parallel_loop3A_218 = tpu.vector_load %arg6[%parallel_loop3A_216, %parallel_loop3A_217] {strides = array<i32>} : memref<8x2048xf32, #tpu.memory_space<vmem>>, vector<1x16xf32>,
        %parallel_loop3A_219 = vector.shape_cast %parallel_loop3A_218 : vector<1x16xf32> to vector<16xf32>
        %parallel_loop3A_220 = vector.shape_cast %parallel_loop3A_214 : vector<16xf32> to vector<1x16xf32>
        tpu.vector_store %arg6[%parallel_loop3A_216, %parallel_loop3A_217], %parallel_loop3A_220 {strides = array<i32>} : memref<8x2048xf32, #tpu.memory_space<vmem>>, vector<1x16xf32>,
        %parallel_loop3A_221 = arith.constant 6 : i32
        %parallel_loop3A_222 = arith.index_cast %parallel_loop3A_221 : i32 to index
        %parallel_loop3A_223 = arith.index_cast %parallel_loop3A_136 : i32 to index
        %parallel_loop3A_224 = tpu.vector_load %arg6[%parallel_loop3A_222, %parallel_loop3A_223] {strides = array<i32>} : memref<8x2048xf32, #tpu.memory_space<vmem>>, vector<1x16xf32>,
        %parallel_loop3A_225 = vector.shape_cast %parallel_loop3A_224 : vector<1x16xf32> to vector<16xf32>
        %parallel_loop3A_226 = arith.constant 45.2548332 : f32
        %parallel_loop3A_227 = vector.broadcast %parallel_loop3A_226 : f32 to vector<16xf32>
        %parallel_loop3A_228 = arith.mulf %parallel_loop3A_225, %parallel_loop3A_227 : vector<16xf32>
        %parallel_loop3A_229 = arith.constant 6 : i32
        %parallel_loop3A_230 = arith.index_cast %parallel_loop3A_229 : i32 to index
        %parallel_loop3A_231 = arith.index_cast %parallel_loop3A_136 : i32 to index
        %parallel_loop3A_232 = tpu.vector_load %arg6[%parallel_loop3A_230, %parallel_loop3A_231] {strides = array<i32>} : memref<8x2048xf32, #tpu.memory_space<vmem>>, vector<1x16xf32>,
        %parallel_loop3A_233 = vector.shape_cast %parallel_loop3A_232 : vector<1x16xf32> to vector<16xf32>
        %parallel_loop3A_234 = vector.shape_cast %parallel_loop3A_228 : vector<16xf32> to vector<1x16xf32>
        tpu.vector_store %arg6[%parallel_loop3A_230, %parallel_loop3A_231], %parallel_loop3A_234 {strides = array<i32>} : memref<8x2048xf32, #tpu.memory_space<vmem>>, vector<1x16xf32>,
        %parallel_loop3A_235 = arith.constant 7 : i32
        %parallel_loop3A_236 = arith.index_cast %parallel_loop3A_235 : i32 to index
        %parallel_loop3A_237 = arith.index_cast %parallel_loop3A_136 : i32 to index
        %parallel_loop3A_238 = tpu.vector_load %arg6[%parallel_loop3A_236, %parallel_loop3A_237] {strides = array<i32>} : memref<8x2048xf32, #tpu.memory_space<vmem>>, vector<1x16xf32>,
        %parallel_loop3A_239 = vector.shape_cast %parallel_loop3A_238 : vector<1x16xf32> to vector<16xf32>
        %parallel_loop3A_240 = arith.constant 45.2548332 : f32
        %parallel_loop3A_241 = vector.broadcast %parallel_loop3A_240 : f32 to vector<16xf32>
        %parallel_loop3A_242 = arith.mulf %parallel_loop3A_239, %parallel_loop3A_241 : vector<16xf32>
        %parallel_loop3A_243 = arith.constant 7 : i32
        %parallel_loop3A_244 = arith.index_cast %parallel_loop3A_243 : i32 to index
        %parallel_loop3A_245 = arith.index_cast %parallel_loop3A_136 : i32 to index
        %parallel_loop3A_246 = tpu.vector_load %arg6[%parallel_loop3A_244, %parallel_loop3A_245] {strides = array<i32>} : memref<8x2048xf32, #tpu.memory_space<vmem>>, vector<1x16xf32>,
        %parallel_loop3A_247 = vector.shape_cast %parallel_loop3A_246 : vector<1x16xf32> to vector<16xf32>
        %parallel_loop3A_248 = vector.shape_cast %parallel_loop3A_242 : vector<16xf32> to vector<1x16xf32>
        tpu.vector_store %arg6[%parallel_loop3A_244, %parallel_loop3A_245], %parallel_loop3A_248 {strides = array<i32>} : memref<8x2048xf32, #tpu.memory_space<vmem>>, vector<1x16xf32>,
      } {sc.loop_unroll_factor = 2 : i64, sc.parallel_access}
      %mul3A_50 = arith.constant 8 : i32
      %mul3A_51 = arith.muli %add3A_38, %mul3A_50 : i32
      %add3A_52 = arith.addi %mul3A_2, %mul3A_51 : i32
      %dma_start3A_53 = arith.constant 0 : i32
      %dma_start3A_54 = tpu.memref_slice %arg4[%add3A_52, %dma_start3A_53] : memref<32768x2048xf32, #tpu.memory_space<hbm>> -> memref<8x2048xf32, #tpu.memory_space<hbm>>
      %dma_start3A_55 = arith.constant 0 : i32
      %dma_start3A_56 = tpu.memref_slice %arg4[%add3A_52, %dma_start3A_55] : memref<32768x2048xf32, #tpu.memory_space<hbm>> -> memref<8x2048xf32, #tpu.memory_space<hbm>>
      tpu.enqueue_dma source(%arg6 : memref<8x2048xf32, #tpu.memory_space<vmem>>) target(%dma_start3A_56 : memref<8x2048xf32, #tpu.memory_space<hbm>>) target_semaphore(%arg14 : memref<!tpu.dma_semaphore, #tpu.memory_space<semaphore_mem>>)
      %mul3A_57 = arith.constant 4 : i32
      %mul3A_58 = arith.muli %mul3A_57, %scan3A_33 : i32
      %add3A_59 = arith.constant 1 : i32
      %add3A_60 = arith.addi %mul3A_58, %add3A_59 : i32
      %add3A_61 = arith.constant 2 : i32
      %add3A_62 = arith.addi %add3A_60, %add3A_61 : i32
      %lt3A_63 = arith.constant 128 : i32
      %lt3A_64 = arith.cmpi slt, %add3A_62, %lt3A_63 : i32
      %convert_element_type3A_65 = arith.extui %lt3A_64 : i1 to i32
      %cond3A_66 = arith.constant 0 : i32
      %cond3A_67 = arith.cmpi ne, %convert_element_type3A_65, %cond3A_66 : i32
      scf.if %cond3A_67 {
        %ge3A = arith.constant 4 : i32
        %ge3A_136 = arith.cmpi sge, %add3A_62, %ge3A : i32
        %convert_element_type3A_137 = arith.extui %ge3A_136 : i1 to i32
        %cond3A_138 = arith.constant 0 : i32
        %cond3A_139 = arith.cmpi ne, %convert_element_type3A_137, %cond3A_138 : i32
        scf.if %cond3A_139 {
          %dma_wait3A_146 = arith.constant 0 : i32
          %dma_wait3A_147 = tpu.memref_slice %arg4[%mul3A_2, %dma_wait3A_146] : memref<32768x2048xf32, #tpu.memory_space<hbm>> -> memref<8x2048xf32, #tpu.memory_space<hbm>>
          %dma_wait3A_148 = arith.constant 0 : i32
          %dma_wait3A_149 = tpu.memref_slice %arg4[%mul3A_2, %dma_wait3A_148] : memref<32768x2048xf32, #tpu.memory_space<hbm>> -> memref<8x2048xf32, #tpu.memory_space<hbm>>
          tpu.wait_dma2 semaphore(%arg17 : memref<!tpu.dma_semaphore, #tpu.memory_space<semaphore_mem>>) src(%arg9 : memref<8x2048xf32, #tpu.memory_space<vmem>>) dst(%dma_wait3A_149 : memref<8x2048xf32, #tpu.memory_space<hbm>>)
        } else {
        }
        %mul3A_140 = arith.constant 8 : i32
        %mul3A_141 = arith.muli %add3A_62, %mul3A_140 : i32
        %dma_start3A_142 = tpu.memref_slice %arg5[%mul3A_141] : memref<1024xi32, #tpu.memory_space<vmem>> -> memref<8xi32, #tpu.memory_space<vmem>>
        %dma_start3A_143 = arith.constant 0 : i32
        %dma_start3A_144 = arith.constant 0 : i32
        %dma_start3A_145 = tpu.memref_slice %arg3[%dma_start3A_143, %dma_start3A_144] : memref<100000x2048xf32, #tpu.memory_space<hbm>> -> memref<100000x2048xf32, #tpu.memory_space<hbm>>
        tpu.enqueue_indirect_dma source(%dma_start3A_145 : memref<100000x2048xf32, #tpu.memory_space<hbm>>) target(%arg9 : memref<8x2048xf32, #tpu.memory_space<vmem>>) offsets(%dma_start3A_142 : memref<8xi32, #tpu.memory_space<vmem>>) semaphore(%arg13 : memref<!tpu.dma_semaphore, #tpu.memory_space<semaphore_mem>>)
      } else {
      }
      %dma_wait3A_68 = arith.constant 0 : i32
      %dma_wait3A_69 = tpu.memref_slice %arg5[%dma_wait3A_68] : memref<1024xi32, #tpu.memory_space<vmem>> -> memref<8xi32, #tpu.memory_space<vmem>>
      %dma_wait3A_70 = arith.constant 0 : i32
      %dma_wait3A_71 = arith.constant 0 : i32
      %dma_wait3A_72 = tpu.memref_slice %arg3[%dma_wait3A_70, %dma_wait3A_71] : memref<100000x2048xf32, #tpu.memory_space<hbm>> -> memref<100000x2048xf32, #tpu.memory_space<hbm>>
      tpu.wait_indirect_dma semaphore(%arg11 : memref<!tpu.dma_semaphore, #tpu.memory_space<semaphore_mem>>) src(%dma_wait3A_72 : memref<100000x2048xf32, #tpu.memory_space<hbm>>) dst(%arg7 : memref<8x2048xf32, #tpu.memory_space<vmem>>)
      %parallel_loop3A_73 = arith.constant 0 : i32
      %parallel_loop3A_74 = arith.constant 2048 : i32
      %parallel_loop3A_75 = arith.constant 16 : i32
      scf.for %parallel_loop3A_136 = %parallel_loop3A_73 to %parallel_loop3A_74 step %parallel_loop3A_75  : i32 {
        %parallel_loop3A_137 = arith.constant 0 : i32
        %parallel_loop3A_138 = arith.index_cast %parallel_loop3A_137 : i32 to index
        %parallel_loop3A_139 = arith.index_cast %parallel_loop3A_136 : i32 to index
        %parallel_loop3A_140 = tpu.vector_load %arg7[%parallel_loop3A_138, %parallel_loop3A_139] {strides = array<i32>} : memref<8x2048xf32, #tpu.memory_space<vmem>>, vector<1x16xf32>,
        %parallel_loop3A_141 = vector.shape_cast %parallel_loop3A_140 : vector<1x16xf32> to vector<16xf32>
        %parallel_loop3A_142 = arith.constant 45.2548332 : f32
        %parallel_loop3A_143 = vector.broadcast %parallel_loop3A_142 : f32 to vector<16xf32>
        %parallel_loop3A_144 = arith.mulf %parallel_loop3A_141, %parallel_loop3A_143 : vector<16xf32>
        %parallel_loop3A_145 = arith.constant 0 : i32
        %parallel_loop3A_146 = arith.index_cast %parallel_loop3A_145 : i32 to index
        %parallel_loop3A_147 = arith.index_cast %parallel_loop3A_136 : i32 to index
        %parallel_loop3A_148 = tpu.vector_load %arg7[%parallel_loop3A_146, %parallel_loop3A_147] {strides = array<i32>} : memref<8x2048xf32, #tpu.memory_space<vmem>>, vector<1x16xf32>,
        %parallel_loop3A_149 = vector.shape_cast %parallel_loop3A_148 : vector<1x16xf32> to vector<16xf32>
        %parallel_loop3A_150 = vector.shape_cast %parallel_loop3A_144 : vector<16xf32> to vector<1x16xf32>
        tpu.vector_store %arg7[%parallel_loop3A_146, %parallel_loop3A_147], %parallel_loop3A_150 {strides = array<i32>} : memref<8x2048xf32, #tpu.memory_space<vmem>>, vector<1x16xf32>,
        %parallel_loop3A_151 = arith.constant 1 : i32
        %parallel_loop3A_152 = arith.index_cast %parallel_loop3A_151 : i32 to index
        %parallel_loop3A_153 = arith.index_cast %parallel_loop3A_136 : i32 to index
        %parallel_loop3A_154 = tpu.vector_load %arg7[%parallel_loop3A_152, %parallel_loop3A_153] {strides = array<i32>} : memref<8x2048xf32, #tpu.memory_space<vmem>>, vector<1x16xf32>,
        %parallel_loop3A_155 = vector.shape_cast %parallel_loop3A_154 : vector<1x16xf32> to vector<16xf32>
        %parallel_loop3A_156 = arith.constant 45.2548332 : f32
        %parallel_loop3A_157 = vector.broadcast %parallel_loop3A_156 : f32 to vector<16xf32>
        %parallel_loop3A_158 = arith.mulf %parallel_loop3A_155, %parallel_loop3A_157 : vector<16xf32>
        %parallel_loop3A_159 = arith.constant 1 : i32
        %parallel_loop3A_160 = arith.index_cast %parallel_loop3A_159 : i32 to index
        %parallel_loop3A_161 = arith.index_cast %parallel_loop3A_136 : i32 to index
        %parallel_loop3A_162 = tpu.vector_load %arg7[%parallel_loop3A_160, %parallel_loop3A_161] {strides = array<i32>} : memref<8x2048xf32, #tpu.memory_space<vmem>>, vector<1x16xf32>,
        %parallel_loop3A_163 = vector.shape_cast %parallel_loop3A_162 : vector<1x16xf32> to vector<16xf32>
        %parallel_loop3A_164 = vector.shape_cast %parallel_loop3A_158 : vector<16xf32> to vector<1x16xf32>
        tpu.vector_store %arg7[%parallel_loop3A_160, %parallel_loop3A_161], %parallel_loop3A_164 {strides = array<i32>} : memref<8x2048xf32, #tpu.memory_space<vmem>>, vector<1x16xf32>,
        %parallel_loop3A_165 = arith.constant 2 : i32
        %parallel_loop3A_166 = arith.index_cast %parallel_loop3A_165 : i32 to index
        %parallel_loop3A_167 = arith.index_cast %parallel_loop3A_136 : i32 to index
        %parallel_loop3A_168 = tpu.vector_load %arg7[%parallel_loop3A_166, %parallel_loop3A_167] {strides = array<i32>} : memref<8x2048xf32, #tpu.memory_space<vmem>>, vector<1x16xf32>,
        %parallel_loop3A_169 = vector.shape_cast %parallel_loop3A_168 : vector<1x16xf32> to vector<16xf32>
        %parallel_loop3A_170 = arith.constant 45.2548332 : f32
        %parallel_loop3A_171 = vector.broadcast %parallel_loop3A_170 : f32 to vector<16xf32>
        %parallel_loop3A_172 = arith.mulf %parallel_loop3A_169, %parallel_loop3A_171 : vector<16xf32>
        %parallel_loop3A_173 = arith.constant 2 : i32
        %parallel_loop3A_174 = arith.index_cast %parallel_loop3A_173 : i32 to index
        %parallel_loop3A_175 = arith.index_cast %parallel_loop3A_136 : i32 to index
        %parallel_loop3A_176 = tpu.vector_load %arg7[%parallel_loop3A_174, %parallel_loop3A_175] {strides = array<i32>} : memref<8x2048xf32, #tpu.memory_space<vmem>>, vector<1x16xf32>,
        %parallel_loop3A_177 = vector.shape_cast %parallel_loop3A_176 : vector<1x16xf32> to vector<16xf32>
        %parallel_loop3A_178 = vector.shape_cast %parallel_loop3A_172 : vector<16xf32> to vector<1x16xf32>
        tpu.vector_store %arg7[%parallel_loop3A_174, %parallel_loop3A_175], %parallel_loop3A_178 {strides = array<i32>} : memref<8x2048xf32, #tpu.memory_space<vmem>>, vector<1x16xf32>,
        %parallel_loop3A_179 = arith.constant 3 : i32
        %parallel_loop3A_180 = arith.index_cast %parallel_loop3A_179 : i32 to index
        %parallel_loop3A_181 = arith.index_cast %parallel_loop3A_136 : i32 to index
        %parallel_loop3A_182 = tpu.vector_load %arg7[%parallel_loop3A_180, %parallel_loop3A_181] {strides = array<i32>} : memref<8x2048xf32, #tpu.memory_space<vmem>>, vector<1x16xf32>,
        %parallel_loop3A_183 = vector.shape_cast %parallel_loop3A_182 : vector<1x16xf32> to vector<16xf32>
        %parallel_loop3A_184 = arith.constant 45.2548332 : f32
        %parallel_loop3A_185 = vector.broadcast %parallel_loop3A_184 : f32 to vector<16xf32>
        %parallel_loop3A_186 = arith.mulf %parallel_loop3A_183, %parallel_loop3A_185 : vector<16xf32>
        %parallel_loop3A_187 = arith.constant 3 : i32
        %parallel_loop3A_188 = arith.index_cast %parallel_loop3A_187 : i32 to index
        %parallel_loop3A_189 = arith.index_cast %parallel_loop3A_136 : i32 to index
        %parallel_loop3A_190 = tpu.vector_load %arg7[%parallel_loop3A_188, %parallel_loop3A_189] {strides = array<i32>} : memref<8x2048xf32, #tpu.memory_space<vmem>>, vector<1x16xf32>,
        %parallel_loop3A_191 = vector.shape_cast %parallel_loop3A_190 : vector<1x16xf32> to vector<16xf32>
        %parallel_loop3A_192 = vector.shape_cast %parallel_loop3A_186 : vector<16xf32> to vector<1x16xf32>
        tpu.vector_store %arg7[%parallel_loop3A_188, %parallel_loop3A_189], %parallel_loop3A_192 {strides = array<i32>} : memref<8x2048xf32, #tpu.memory_space<vmem>>, vector<1x16xf32>,
        %parallel_loop3A_193 = arith.constant 4 : i32
        %parallel_loop3A_194 = arith.index_cast %parallel_loop3A_193 : i32 to index
        %parallel_loop3A_195 = arith.index_cast %parallel_loop3A_136 : i32 to index
        %parallel_loop3A_196 = tpu.vector_load %arg7[%parallel_loop3A_194, %parallel_loop3A_195] {strides = array<i32>} : memref<8x2048xf32, #tpu.memory_space<vmem>>, vector<1x16xf32>,
        %parallel_loop3A_197 = vector.shape_cast %parallel_loop3A_196 : vector<1x16xf32> to vector<16xf32>
        %parallel_loop3A_198 = arith.constant 45.2548332 : f32
        %parallel_loop3A_199 = vector.broadcast %parallel_loop3A_198 : f32 to vector<16xf32>
        %parallel_loop3A_200 = arith.mulf %parallel_loop3A_197, %parallel_loop3A_199 : vector<16xf32>
        %parallel_loop3A_201 = arith.constant 4 : i32
        %parallel_loop3A_202 = arith.index_cast %parallel_loop3A_201 : i32 to index
        %parallel_loop3A_203 = arith.index_cast %parallel_loop3A_136 : i32 to index
        %parallel_loop3A_204 = tpu.vector_load %arg7[%parallel_loop3A_202, %parallel_loop3A_203] {strides = array<i32>} : memref<8x2048xf32, #tpu.memory_space<vmem>>, vector<1x16xf32>,
        %parallel_loop3A_205 = vector.shape_cast %parallel_loop3A_204 : vector<1x16xf32> to vector<16xf32>
        %parallel_loop3A_206 = vector.shape_cast %parallel_loop3A_200 : vector<16xf32> to vector<1x16xf32>
        tpu.vector_store %arg7[%parallel_loop3A_202, %parallel_loop3A_203], %parallel_loop3A_206 {strides = array<i32>} : memref<8x2048xf32, #tpu.memory_space<vmem>>, vector<1x16xf32>,
        %parallel_loop3A_207 = arith.constant 5 : i32
        %parallel_loop3A_208 = arith.index_cast %parallel_loop3A_207 : i32 to index
        %parallel_loop3A_209 = arith.index_cast %parallel_loop3A_136 : i32 to index
        %parallel_loop3A_210 = tpu.vector_load %arg7[%parallel_loop3A_208, %parallel_loop3A_209] {strides = array<i32>} : memref<8x2048xf32, #tpu.memory_space<vmem>>, vector<1x16xf32>,
        %parallel_loop3A_211 = vector.shape_cast %parallel_loop3A_210 : vector<1x16xf32> to vector<16xf32>
        %parallel_loop3A_212 = arith.constant 45.2548332 : f32
        %parallel_loop3A_213 = vector.broadcast %parallel_loop3A_212 : f32 to vector<16xf32>
        %parallel_loop3A_214 = arith.mulf %parallel_loop3A_211, %parallel_loop3A_213 : vector<16xf32>
        %parallel_loop3A_215 = arith.constant 5 : i32
        %parallel_loop3A_216 = arith.index_cast %parallel_loop3A_215 : i32 to index
        %parallel_loop3A_217 = arith.index_cast %parallel_loop3A_136 : i32 to index
        %parallel_loop3A_218 = tpu.vector_load %arg7[%parallel_loop3A_216, %parallel_loop3A_217] {strides = array<i32>} : memref<8x2048xf32, #tpu.memory_space<vmem>>, vector<1x16xf32>,
        %parallel_loop3A_219 = vector.shape_cast %parallel_loop3A_218 : vector<1x16xf32> to vector<16xf32>
        %parallel_loop3A_220 = vector.shape_cast %parallel_loop3A_214 : vector<16xf32> to vector<1x16xf32>
        tpu.vector_store %arg7[%parallel_loop3A_216, %parallel_loop3A_217], %parallel_loop3A_220 {strides = array<i32>} : memref<8x2048xf32, #tpu.memory_space<vmem>>, vector<1x16xf32>,
        %parallel_loop3A_221 = arith.constant 6 : i32
        %parallel_loop3A_222 = arith.index_cast %parallel_loop3A_221 : i32 to index
        %parallel_loop3A_223 = arith.index_cast %parallel_loop3A_136 : i32 to index
        %parallel_loop3A_224 = tpu.vector_load %arg7[%parallel_loop3A_222, %parallel_loop3A_223] {strides = array<i32>} : memref<8x2048xf32, #tpu.memory_space<vmem>>, vector<1x16xf32>,
        %parallel_loop3A_225 = vector.shape_cast %parallel_loop3A_224 : vector<1x16xf32> to vector<16xf32>
        %parallel_loop3A_226 = arith.constant 45.2548332 : f32
        %parallel_loop3A_227 = vector.broadcast %parallel_loop3A_226 : f32 to vector<16xf32>
        %parallel_loop3A_228 = arith.mulf %parallel_loop3A_225, %parallel_loop3A_227 : vector<16xf32>
        %parallel_loop3A_229 = arith.constant 6 : i32
        %parallel_loop3A_230 = arith.index_cast %parallel_loop3A_229 : i32 to index
        %parallel_loop3A_231 = arith.index_cast %parallel_loop3A_136 : i32 to index
        %parallel_loop3A_232 = tpu.vector_load %arg7[%parallel_loop3A_230, %parallel_loop3A_231] {strides = array<i32>} : memref<8x2048xf32, #tpu.memory_space<vmem>>, vector<1x16xf32>,
        %parallel_loop3A_233 = vector.shape_cast %parallel_loop3A_232 : vector<1x16xf32> to vector<16xf32>
        %parallel_loop3A_234 = vector.shape_cast %parallel_loop3A_228 : vector<16xf32> to vector<1x16xf32>
        tpu.vector_store %arg7[%parallel_loop3A_230, %parallel_loop3A_231], %parallel_loop3A_234 {strides = array<i32>} : memref<8x2048xf32, #tpu.memory_space<vmem>>, vector<1x16xf32>,
        %parallel_loop3A_235 = arith.constant 7 : i32
        %parallel_loop3A_236 = arith.index_cast %parallel_loop3A_235 : i32 to index
        %parallel_loop3A_237 = arith.index_cast %parallel_loop3A_136 : i32 to index
        %parallel_loop3A_238 = tpu.vector_load %arg7[%parallel_loop3A_236, %parallel_loop3A_237] {strides = array<i32>} : memref<8x2048xf32, #tpu.memory_space<vmem>>, vector<1x16xf32>,
        %parallel_loop3A_239 = vector.shape_cast %parallel_loop3A_238 : vector<1x16xf32> to vector<16xf32>
        %parallel_loop3A_240 = arith.constant 45.2548332 : f32
        %parallel_loop3A_241 = vector.broadcast %parallel_loop3A_240 : f32 to vector<16xf32>
        %parallel_loop3A_242 = arith.mulf %parallel_loop3A_239, %parallel_loop3A_241 : vector<16xf32>
        %parallel_loop3A_243 = arith.constant 7 : i32
        %parallel_loop3A_244 = arith.index_cast %parallel_loop3A_243 : i32 to index
        %parallel_loop3A_245 = arith.index_cast %parallel_loop3A_136 : i32 to index
        %parallel_loop3A_246 = tpu.vector_load %arg7[%parallel_loop3A_244, %parallel_loop3A_245] {strides = array<i32>} : memref<8x2048xf32, #tpu.memory_space<vmem>>, vector<1x16xf32>,
        %parallel_loop3A_247 = vector.shape_cast %parallel_loop3A_246 : vector<1x16xf32> to vector<16xf32>
        %parallel_loop3A_248 = vector.shape_cast %parallel_loop3A_242 : vector<16xf32> to vector<1x16xf32>
        tpu.vector_store %arg7[%parallel_loop3A_244, %parallel_loop3A_245], %parallel_loop3A_248 {strides = array<i32>} : memref<8x2048xf32, #tpu.memory_space<vmem>>, vector<1x16xf32>,
      } {sc.loop_unroll_factor = 2 : i64, sc.parallel_access}
      %mul3A_76 = arith.constant 8 : i32
      %mul3A_77 = arith.muli %add3A_60, %mul3A_76 : i32
      %add3A_78 = arith.addi %mul3A_2, %mul3A_77 : i32
      %dma_start3A_79 = arith.constant 0 : i32
      %dma_start3A_80 = tpu.memref_slice %arg4[%add3A_78, %dma_start3A_79] : memref<32768x2048xf32, #tpu.memory_space<hbm>> -> memref<8x2048xf32, #tpu.memory_space<hbm>>
      %dma_start3A_81 = arith.constant 0 : i32
      %dma_start3A_82 = tpu.memref_slice %arg4[%add3A_78, %dma_start3A_81] : memref<32768x2048xf32, #tpu.memory_space<hbm>> -> memref<8x2048xf32, #tpu.memory_space<hbm>>
      tpu.enqueue_dma source(%arg7 : memref<8x2048xf32, #tpu.memory_space<vmem>>) target(%dma_start3A_82 : memref<8x2048xf32, #tpu.memory_space<hbm>>) target_semaphore(%arg15 : memref<!tpu.dma_semaphore, #tpu.memory_space<semaphore_mem>>)
      %mul3A_83 = arith.constant 4 : i32
      %mul3A_84 = arith.muli %mul3A_83, %scan3A_33 : i32
      %add3A_85 = arith.constant 2 : i32
      %add3A_86 = arith.addi %mul3A_84, %add3A_85 : i32
      %add3A_87 = arith.constant 2 : i32
      %add3A_88 = arith.addi %add3A_86, %add3A_87 : i32
      %lt3A_89 = arith.constant 128 : i32
      %lt3A_90 = arith.cmpi slt, %add3A_88, %lt3A_89 : i32
      %convert_element_type3A_91 = arith.extui %lt3A_90 : i1 to i32
      %cond3A_92 = arith.constant 0 : i32
      %cond3A_93 = arith.cmpi ne, %convert_element_type3A_91, %cond3A_92 : i32
      scf.if %cond3A_93 {
        %ge3A = arith.constant 4 : i32
        %ge3A_136 = arith.cmpi sge, %add3A_88, %ge3A : i32
        %convert_element_type3A_137 = arith.extui %ge3A_136 : i1 to i32
        %cond3A_138 = arith.constant 0 : i32
        %cond3A_139 = arith.cmpi ne, %convert_element_type3A_137, %cond3A_138 : i32
        scf.if %cond3A_139 {
          %dma_wait3A_146 = arith.constant 0 : i32
          %dma_wait3A_147 = tpu.memref_slice %arg4[%mul3A_2, %dma_wait3A_146] : memref<32768x2048xf32, #tpu.memory_space<hbm>> -> memref<8x2048xf32, #tpu.memory_space<hbm>>
          %dma_wait3A_148 = arith.constant 0 : i32
          %dma_wait3A_149 = tpu.memref_slice %arg4[%mul3A_2, %dma_wait3A_148] : memref<32768x2048xf32, #tpu.memory_space<hbm>> -> memref<8x2048xf32, #tpu.memory_space<hbm>>
          tpu.wait_dma2 semaphore(%arg14 : memref<!tpu.dma_semaphore, #tpu.memory_space<semaphore_mem>>) src(%arg6 : memref<8x2048xf32, #tpu.memory_space<vmem>>) dst(%dma_wait3A_149 : memref<8x2048xf32, #tpu.memory_space<hbm>>)
        } else {
        }
        %mul3A_140 = arith.constant 8 : i32
        %mul3A_141 = arith.muli %add3A_88, %mul3A_140 : i32
        %dma_start3A_142 = tpu.memref_slice %arg5[%mul3A_141] : memref<1024xi32, #tpu.memory_space<vmem>> -> memref<8xi32, #tpu.memory_space<vmem>>
        %dma_start3A_143 = arith.constant 0 : i32
        %dma_start3A_144 = arith.constant 0 : i32
        %dma_start3A_145 = tpu.memref_slice %arg3[%dma_start3A_143, %dma_start3A_144] : memref<100000x2048xf32, #tpu.memory_space<hbm>> -> memref<100000x2048xf32, #tpu.memory_space<hbm>>
        tpu.enqueue_indirect_dma source(%dma_start3A_145 : memref<100000x2048xf32, #tpu.memory_space<hbm>>) target(%arg6 : memref<8x2048xf32, #tpu.memory_space<vmem>>) offsets(%dma_start3A_142 : memref<8xi32, #tpu.memory_space<vmem>>) semaphore(%arg10 : memref<!tpu.dma_semaphore, #tpu.memory_space<semaphore_mem>>)
      } else {
      }
      %dma_wait3A_94 = arith.constant 0 : i32
      %dma_wait3A_95 = tpu.memref_slice %arg5[%dma_wait3A_94] : memref<1024xi32, #tpu.memory_space<vmem>> -> memref<8xi32, #tpu.memory_space<vmem>>
      %dma_wait3A_96 = arith.constant 0 : i32
      %dma_wait3A_97 = arith.constant 0 : i32
      %dma_wait3A_98 = tpu.memref_slice %arg3[%dma_wait3A_96, %dma_wait3A_97] : memref<100000x2048xf32, #tpu.memory_space<hbm>> -> memref<100000x2048xf32, #tpu.memory_space<hbm>>
      tpu.wait_indirect_dma semaphore(%arg12 : memref<!tpu.dma_semaphore, #tpu.memory_space<semaphore_mem>>) src(%dma_wait3A_98 : memref<100000x2048xf32, #tpu.memory_space<hbm>>) dst(%arg8 : memref<8x2048xf32, #tpu.memory_space<vmem>>)
      %parallel_loop3A_99 = arith.constant 0 : i32
      %parallel_loop3A_100 = arith.constant 2048 : i32
      %parallel_loop3A_101 = arith.constant 16 : i32
      scf.for %parallel_loop3A_136 = %parallel_loop3A_99 to %parallel_loop3A_100 step %parallel_loop3A_101  : i32 {
        %parallel_loop3A_137 = arith.constant 0 : i32
        %parallel_loop3A_138 = arith.index_cast %parallel_loop3A_137 : i32 to index
        %parallel_loop3A_139 = arith.index_cast %parallel_loop3A_136 : i32 to index
        %parallel_loop3A_140 = tpu.vector_load %arg8[%parallel_loop3A_138, %parallel_loop3A_139] {strides = array<i32>} : memref<8x2048xf32, #tpu.memory_space<vmem>>, vector<1x16xf32>,
        %parallel_loop3A_141 = vector.shape_cast %parallel_loop3A_140 : vector<1x16xf32> to vector<16xf32>
        %parallel_loop3A_142 = arith.constant 45.2548332 : f32
        %parallel_loop3A_143 = vector.broadcast %parallel_loop3A_142 : f32 to vector<16xf32>
        %parallel_loop3A_144 = arith.mulf %parallel_loop3A_141, %parallel_loop3A_143 : vector<16xf32>
        %parallel_loop3A_145 = arith.constant 0 : i32
        %parallel_loop3A_146 = arith.index_cast %parallel_loop3A_145 : i32 to index
        %parallel_loop3A_147 = arith.index_cast %parallel_loop3A_136 : i32 to index
        %parallel_loop3A_148 = tpu.vector_load %arg8[%parallel_loop3A_146, %parallel_loop3A_147] {strides = array<i32>} : memref<8x2048xf32, #tpu.memory_space<vmem>>, vector<1x16xf32>,
        %parallel_loop3A_149 = vector.shape_cast %parallel_loop3A_148 : vector<1x16xf32> to vector<16xf32>
        %parallel_loop3A_150 = vector.shape_cast %parallel_loop3A_144 : vector<16xf32> to vector<1x16xf32>
        tpu.vector_store %arg8[%parallel_loop3A_146, %parallel_loop3A_147], %parallel_loop3A_150 {strides = array<i32>} : memref<8x2048xf32, #tpu.memory_space<vmem>>, vector<1x16xf32>,
        %parallel_loop3A_151 = arith.constant 1 : i32
        %parallel_loop3A_152 = arith.index_cast %parallel_loop3A_151 : i32 to index
        %parallel_loop3A_153 = arith.index_cast %parallel_loop3A_136 : i32 to index
        %parallel_loop3A_154 = tpu.vector_load %arg8[%parallel_loop3A_152, %parallel_loop3A_153] {strides = array<i32>} : memref<8x2048xf32, #tpu.memory_space<vmem>>, vector<1x16xf32>,
        %parallel_loop3A_155 = vector.shape_cast %parallel_loop3A_154 : vector<1x16xf32> to vector<16xf32>
        %parallel_loop3A_156 = arith.constant 45.2548332 : f32
        %parallel_loop3A_157 = vector.broadcast %parallel_loop3A_156 : f32 to vector<16xf32>
        %parallel_loop3A_158 = arith.mulf %parallel_loop3A_155, %parallel_loop3A_157 : vector<16xf32>
        %parallel_loop3A_159 = arith.constant 1 : i32
        %parallel_loop3A_160 = arith.index_cast %parallel_loop3A_159 : i32 to index
        %parallel_loop3A_161 = arith.index_cast %parallel_loop3A_136 : i32 to index
        %parallel_loop3A_162 = tpu.vector_load %arg8[%parallel_loop3A_160, %parallel_loop3A_161] {strides = array<i32>} : memref<8x2048xf32, #tpu.memory_space<vmem>>, vector<1x16xf32>,
        %parallel_loop3A_163 = vector.shape_cast %parallel_loop3A_162 : vector<1x16xf32> to vector<16xf32>
        %parallel_loop3A_164 = vector.shape_cast %parallel_loop3A_158 : vector<16xf32> to vector<1x16xf32>
        tpu.vector_store %arg8[%parallel_loop3A_160, %parallel_loop3A_161], %parallel_loop3A_164 {strides = array<i32>} : memref<8x2048xf32, #tpu.memory_space<vmem>>, vector<1x16xf32>,
        %parallel_loop3A_165 = arith.constant 2 : i32
        %parallel_loop3A_166 = arith.index_cast %parallel_loop3A_165 : i32 to index
        %parallel_loop3A_167 = arith.index_cast %parallel_loop3A_136 : i32 to index
        %parallel_loop3A_168 = tpu.vector_load %arg8[%parallel_loop3A_166, %parallel_loop3A_167] {strides = array<i32>} : memref<8x2048xf32, #tpu.memory_space<vmem>>, vector<1x16xf32>,
        %parallel_loop3A_169 = vector.shape_cast %parallel_loop3A_168 : vector<1x16xf32> to vector<16xf32>
        %parallel_loop3A_170 = arith.constant 45.2548332 : f32
        %parallel_loop3A_171 = vector.broadcast %parallel_loop3A_170 : f32 to vector<16xf32>
        %parallel_loop3A_172 = arith.mulf %parallel_loop3A_169, %parallel_loop3A_171 : vector<16xf32>
        %parallel_loop3A_173 = arith.constant 2 : i32
        %parallel_loop3A_174 = arith.index_cast %parallel_loop3A_173 : i32 to index
        %parallel_loop3A_175 = arith.index_cast %parallel_loop3A_136 : i32 to index
        %parallel_loop3A_176 = tpu.vector_load %arg8[%parallel_loop3A_174, %parallel_loop3A_175] {strides = array<i32>} : memref<8x2048xf32, #tpu.memory_space<vmem>>, vector<1x16xf32>,
        %parallel_loop3A_177 = vector.shape_cast %parallel_loop3A_176 : vector<1x16xf32> to vector<16xf32>
        %parallel_loop3A_178 = vector.shape_cast %parallel_loop3A_172 : vector<16xf32> to vector<1x16xf32>
        tpu.vector_store %arg8[%parallel_loop3A_174, %parallel_loop3A_175], %parallel_loop3A_178 {strides = array<i32>} : memref<8x2048xf32, #tpu.memory_space<vmem>>, vector<1x16xf32>,
        %parallel_loop3A_179 = arith.constant 3 : i32
        %parallel_loop3A_180 = arith.index_cast %parallel_loop3A_179 : i32 to index
        %parallel_loop3A_181 = arith.index_cast %parallel_loop3A_136 : i32 to index
        %parallel_loop3A_182 = tpu.vector_load %arg8[%parallel_loop3A_180, %parallel_loop3A_181] {strides = array<i32>} : memref<8x2048xf32, #tpu.memory_space<vmem>>, vector<1x16xf32>,
        %parallel_loop3A_183 = vector.shape_cast %parallel_loop3A_182 : vector<1x16xf32> to vector<16xf32>
        %parallel_loop3A_184 = arith.constant 45.2548332 : f32
        %parallel_loop3A_185 = vector.broadcast %parallel_loop3A_184 : f32 to vector<16xf32>
        %parallel_loop3A_186 = arith.mulf %parallel_loop3A_183, %parallel_loop3A_185 : vector<16xf32>
        %parallel_loop3A_187 = arith.constant 3 : i32
        %parallel_loop3A_188 = arith.index_cast %parallel_loop3A_187 : i32 to index
        %parallel_loop3A_189 = arith.index_cast %parallel_loop3A_136 : i32 to index
        %parallel_loop3A_190 = tpu.vector_load %arg8[%parallel_loop3A_188, %parallel_loop3A_189] {strides = array<i32>} : memref<8x2048xf32, #tpu.memory_space<vmem>>, vector<1x16xf32>,
        %parallel_loop3A_191 = vector.shape_cast %parallel_loop3A_190 : vector<1x16xf32> to vector<16xf32>
        %parallel_loop3A_192 = vector.shape_cast %parallel_loop3A_186 : vector<16xf32> to vector<1x16xf32>
        tpu.vector_store %arg8[%parallel_loop3A_188, %parallel_loop3A_189], %parallel_loop3A_192 {strides = array<i32>} : memref<8x2048xf32, #tpu.memory_space<vmem>>, vector<1x16xf32>,
        %parallel_loop3A_193 = arith.constant 4 : i32
        %parallel_loop3A_194 = arith.index_cast %parallel_loop3A_193 : i32 to index
        %parallel_loop3A_195 = arith.index_cast %parallel_loop3A_136 : i32 to index
        %parallel_loop3A_196 = tpu.vector_load %arg8[%parallel_loop3A_194, %parallel_loop3A_195] {strides = array<i32>} : memref<8x2048xf32, #tpu.memory_space<vmem>>, vector<1x16xf32>,
        %parallel_loop3A_197 = vector.shape_cast %parallel_loop3A_196 : vector<1x16xf32> to vector<16xf32>
        %parallel_loop3A_198 = arith.constant 45.2548332 : f32
        %parallel_loop3A_199 = vector.broadcast %parallel_loop3A_198 : f32 to vector<16xf32>
        %parallel_loop3A_200 = arith.mulf %parallel_loop3A_197, %parallel_loop3A_199 : vector<16xf32>
        %parallel_loop3A_201 = arith.constant 4 : i32
        %parallel_loop3A_202 = arith.index_cast %parallel_loop3A_201 : i32 to index
        %parallel_loop3A_203 = arith.index_cast %parallel_loop3A_136 : i32 to index
        %parallel_loop3A_204 = tpu.vector_load %arg8[%parallel_loop3A_202, %parallel_loop3A_203] {strides = array<i32>} : memref<8x2048xf32, #tpu.memory_space<vmem>>, vector<1x16xf32>,
        %parallel_loop3A_205 = vector.shape_cast %parallel_loop3A_204 : vector<1x16xf32> to vector<16xf32>
        %parallel_loop3A_206 = vector.shape_cast %parallel_loop3A_200 : vector<16xf32> to vector<1x16xf32>
        tpu.vector_store %arg8[%parallel_loop3A_202, %parallel_loop3A_203], %parallel_loop3A_206 {strides = array<i32>} : memref<8x2048xf32, #tpu.memory_space<vmem>>, vector<1x16xf32>,
        %parallel_loop3A_207 = arith.constant 5 : i32
        %parallel_loop3A_208 = arith.index_cast %parallel_loop3A_207 : i32 to index
        %parallel_loop3A_209 = arith.index_cast %parallel_loop3A_136 : i32 to index
        %parallel_loop3A_210 = tpu.vector_load %arg8[%parallel_loop3A_208, %parallel_loop3A_209] {strides = array<i32>} : memref<8x2048xf32, #tpu.memory_space<vmem>>, vector<1x16xf32>,
        %parallel_loop3A_211 = vector.shape_cast %parallel_loop3A_210 : vector<1x16xf32> to vector<16xf32>
        %parallel_loop3A_212 = arith.constant 45.2548332 : f32
        %parallel_loop3A_213 = vector.broadcast %parallel_loop3A_212 : f32 to vector<16xf32>
        %parallel_loop3A_214 = arith.mulf %parallel_loop3A_211, %parallel_loop3A_213 : vector<16xf32>
        %parallel_loop3A_215 = arith.constant 5 : i32
        %parallel_loop3A_216 = arith.index_cast %parallel_loop3A_215 : i32 to index
        %parallel_loop3A_217 = arith.index_cast %parallel_loop3A_136 : i32 to index
        %parallel_loop3A_218 = tpu.vector_load %arg8[%parallel_loop3A_216, %parallel_loop3A_217] {strides = array<i32>} : memref<8x2048xf32, #tpu.memory_space<vmem>>, vector<1x16xf32>,
        %parallel_loop3A_219 = vector.shape_cast %parallel_loop3A_218 : vector<1x16xf32> to vector<16xf32>
        %parallel_loop3A_220 = vector.shape_cast %parallel_loop3A_214 : vector<16xf32> to vector<1x16xf32>
        tpu.vector_store %arg8[%parallel_loop3A_216, %parallel_loop3A_217], %parallel_loop3A_220 {strides = array<i32>} : memref<8x2048xf32, #tpu.memory_space<vmem>>, vector<1x16xf32>,
        %parallel_loop3A_221 = arith.constant 6 : i32
        %parallel_loop3A_222 = arith.index_cast %parallel_loop3A_221 : i32 to index
        %parallel_loop3A_223 = arith.index_cast %parallel_loop3A_136 : i32 to index
        %parallel_loop3A_224 = tpu.vector_load %arg8[%parallel_loop3A_222, %parallel_loop3A_223] {strides = array<i32>} : memref<8x2048xf32, #tpu.memory_space<vmem>>, vector<1x16xf32>,
        %parallel_loop3A_225 = vector.shape_cast %parallel_loop3A_224 : vector<1x16xf32> to vector<16xf32>
        %parallel_loop3A_226 = arith.constant 45.2548332 : f32
        %parallel_loop3A_227 = vector.broadcast %parallel_loop3A_226 : f32 to vector<16xf32>
        %parallel_loop3A_228 = arith.mulf %parallel_loop3A_225, %parallel_loop3A_227 : vector<16xf32>
        %parallel_loop3A_229 = arith.constant 6 : i32
        %parallel_loop3A_230 = arith.index_cast %parallel_loop3A_229 : i32 to index
        %parallel_loop3A_231 = arith.index_cast %parallel_loop3A_136 : i32 to index
        %parallel_loop3A_232 = tpu.vector_load %arg8[%parallel_loop3A_230, %parallel_loop3A_231] {strides = array<i32>} : memref<8x2048xf32, #tpu.memory_space<vmem>>, vector<1x16xf32>,
        %parallel_loop3A_233 = vector.shape_cast %parallel_loop3A_232 : vector<1x16xf32> to vector<16xf32>
        %parallel_loop3A_234 = vector.shape_cast %parallel_loop3A_228 : vector<16xf32> to vector<1x16xf32>
        tpu.vector_store %arg8[%parallel_loop3A_230, %parallel_loop3A_231], %parallel_loop3A_234 {strides = array<i32>} : memref<8x2048xf32, #tpu.memory_space<vmem>>, vector<1x16xf32>,
        %parallel_loop3A_235 = arith.constant 7 : i32
        %parallel_loop3A_236 = arith.index_cast %parallel_loop3A_235 : i32 to index
        %parallel_loop3A_237 = arith.index_cast %parallel_loop3A_136 : i32 to index
        %parallel_loop3A_238 = tpu.vector_load %arg8[%parallel_loop3A_236, %parallel_loop3A_237] {strides = array<i32>} : memref<8x2048xf32, #tpu.memory_space<vmem>>, vector<1x16xf32>,
        %parallel_loop3A_239 = vector.shape_cast %parallel_loop3A_238 : vector<1x16xf32> to vector<16xf32>
        %parallel_loop3A_240 = arith.constant 45.2548332 : f32
        %parallel_loop3A_241 = vector.broadcast %parallel_loop3A_240 : f32 to vector<16xf32>
        %parallel_loop3A_242 = arith.mulf %parallel_loop3A_239, %parallel_loop3A_241 : vector<16xf32>
        %parallel_loop3A_243 = arith.constant 7 : i32
        %parallel_loop3A_244 = arith.index_cast %parallel_loop3A_243 : i32 to index
        %parallel_loop3A_245 = arith.index_cast %parallel_loop3A_136 : i32 to index
        %parallel_loop3A_246 = tpu.vector_load %arg8[%parallel_loop3A_244, %parallel_loop3A_245] {strides = array<i32>} : memref<8x2048xf32, #tpu.memory_space<vmem>>, vector<1x16xf32>,
        %parallel_loop3A_247 = vector.shape_cast %parallel_loop3A_246 : vector<1x16xf32> to vector<16xf32>
        %parallel_loop3A_248 = vector.shape_cast %parallel_loop3A_242 : vector<16xf32> to vector<1x16xf32>
        tpu.vector_store %arg8[%parallel_loop3A_244, %parallel_loop3A_245], %parallel_loop3A_248 {strides = array<i32>} : memref<8x2048xf32, #tpu.memory_space<vmem>>, vector<1x16xf32>,
      } {sc.loop_unroll_factor = 2 : i64, sc.parallel_access}
      %mul3A_102 = arith.constant 8 : i32
      %mul3A_103 = arith.muli %add3A_86, %mul3A_102 : i32
      %add3A_104 = arith.addi %mul3A_2, %mul3A_103 : i32
      %dma_start3A_105 = arith.constant 0 : i32
      %dma_start3A_106 = tpu.memref_slice %arg4[%add3A_104, %dma_start3A_105] : memref<32768x2048xf32, #tpu.memory_space<hbm>> -> memref<8x2048xf32, #tpu.memory_space<hbm>>
      %dma_start3A_107 = arith.constant 0 : i32
      %dma_start3A_108 = tpu.memref_slice %arg4[%add3A_104, %dma_start3A_107] : memref<32768x2048xf32, #tpu.memory_space<hbm>> -> memref<8x2048xf32, #tpu.memory_space<hbm>>
      tpu.enqueue_dma source(%arg8 : memref<8x2048xf32, #tpu.memory_space<vmem>>) target(%dma_start3A_108 : memref<8x2048xf32, #tpu.memory_space<hbm>>) target_semaphore(%arg16 : memref<!tpu.dma_semaphore, #tpu.memory_space<semaphore_mem>>)
      %mul3A_109 = arith.constant 4 : i32
      %mul3A_110 = arith.muli %mul3A_109, %scan3A_33 : i32
      %add3A_111 = arith.constant 3 : i32
      %add3A_112 = arith.addi %mul3A_110, %add3A_111 : i32
      %add3A_113 = arith.constant 2 : i32
      %add3A_114 = arith.addi %add3A_112, %add3A_113 : i32
      %lt3A_115 = arith.constant 128 : i32
      %lt3A_116 = arith.cmpi slt, %add3A_114, %lt3A_115 : i32
      %convert_element_type3A_117 = arith.extui %lt3A_116 : i1 to i32
      %cond3A_118 = arith.constant 0 : i32
      %cond3A_119 = arith.cmpi ne, %convert_element_type3A_117, %cond3A_118 : i32
      scf.if %cond3A_119 {
        %ge3A = arith.constant 4 : i32
        %ge3A_136 = arith.cmpi sge, %add3A_114, %ge3A : i32
        %convert_element_type3A_137 = arith.extui %ge3A_136 : i1 to i32
        %cond3A_138 = arith.constant 0 : i32
        %cond3A_139 = arith.cmpi ne, %convert_element_type3A_137, %cond3A_138 : i32
        scf.if %cond3A_139 {
          %dma_wait3A_146 = arith.constant 0 : i32
          %dma_wait3A_147 = tpu.memref_slice %arg4[%mul3A_2, %dma_wait3A_146] : memref<32768x2048xf32, #tpu.memory_space<hbm>> -> memref<8x2048xf32, #tpu.memory_space<hbm>>
          %dma_wait3A_148 = arith.constant 0 : i32
          %dma_wait3A_149 = tpu.memref_slice %arg4[%mul3A_2, %dma_wait3A_148] : memref<32768x2048xf32, #tpu.memory_space<hbm>> -> memref<8x2048xf32, #tpu.memory_space<hbm>>
          tpu.wait_dma2 semaphore(%arg15 : memref<!tpu.dma_semaphore, #tpu.memory_space<semaphore_mem>>) src(%arg7 : memref<8x2048xf32, #tpu.memory_space<vmem>>) dst(%dma_wait3A_149 : memref<8x2048xf32, #tpu.memory_space<hbm>>)
        } else {
        }
        %mul3A_140 = arith.constant 8 : i32
        %mul3A_141 = arith.muli %add3A_114, %mul3A_140 : i32
        %dma_start3A_142 = tpu.memref_slice %arg5[%mul3A_141] : memref<1024xi32, #tpu.memory_space<vmem>> -> memref<8xi32, #tpu.memory_space<vmem>>
        %dma_start3A_143 = arith.constant 0 : i32
        %dma_start3A_144 = arith.constant 0 : i32
        %dma_start3A_145 = tpu.memref_slice %arg3[%dma_start3A_143, %dma_start3A_144] : memref<100000x2048xf32, #tpu.memory_space<hbm>> -> memref<100000x2048xf32, #tpu.memory_space<hbm>>
        tpu.enqueue_indirect_dma source(%dma_start3A_145 : memref<100000x2048xf32, #tpu.memory_space<hbm>>) target(%arg7 : memref<8x2048xf32, #tpu.memory_space<vmem>>) offsets(%dma_start3A_142 : memref<8xi32, #tpu.memory_space<vmem>>) semaphore(%arg11 : memref<!tpu.dma_semaphore, #tpu.memory_space<semaphore_mem>>)
      } else {
      }
      %dma_wait3A_120 = arith.constant 0 : i32
      %dma_wait3A_121 = tpu.memref_slice %arg5[%dma_wait3A_120] : memref<1024xi32, #tpu.memory_space<vmem>> -> memref<8xi32, #tpu.memory_space<vmem>>
      %dma_wait3A_122 = arith.constant 0 : i32
      %dma_wait3A_123 = arith.constant 0 : i32
      %dma_wait3A_124 = tpu.memref_slice %arg3[%dma_wait3A_122, %dma_wait3A_123] : memref<100000x2048xf32, #tpu.memory_space<hbm>> -> memref<100000x2048xf32, #tpu.memory_space<hbm>>
      tpu.wait_indirect_dma semaphore(%arg13 : memref<!tpu.dma_semaphore, #tpu.memory_space<semaphore_mem>>) src(%dma_wait3A_124 : memref<100000x2048xf32, #tpu.memory_space<hbm>>) dst(%arg9 : memref<8x2048xf32, #tpu.memory_space<vmem>>)
      %parallel_loop3A_125 = arith.constant 0 : i32
      %parallel_loop3A_126 = arith.constant 2048 : i32
      %parallel_loop3A_127 = arith.constant 16 : i32
      scf.for %parallel_loop3A_136 = %parallel_loop3A_125 to %parallel_loop3A_126 step %parallel_loop3A_127  : i32 {
        %parallel_loop3A_137 = arith.constant 0 : i32
        %parallel_loop3A_138 = arith.index_cast %parallel_loop3A_137 : i32 to index
        %parallel_loop3A_139 = arith.index_cast %parallel_loop3A_136 : i32 to index
        %parallel_loop3A_140 = tpu.vector_load %arg9[%parallel_loop3A_138, %parallel_loop3A_139] {strides = array<i32>} : memref<8x2048xf32, #tpu.memory_space<vmem>>, vector<1x16xf32>,
        %parallel_loop3A_141 = vector.shape_cast %parallel_loop3A_140 : vector<1x16xf32> to vector<16xf32>
        %parallel_loop3A_142 = arith.constant 45.2548332 : f32
        %parallel_loop3A_143 = vector.broadcast %parallel_loop3A_142 : f32 to vector<16xf32>
        %parallel_loop3A_144 = arith.mulf %parallel_loop3A_141, %parallel_loop3A_143 : vector<16xf32>
        %parallel_loop3A_145 = arith.constant 0 : i32
        %parallel_loop3A_146 = arith.index_cast %parallel_loop3A_145 : i32 to index
        %parallel_loop3A_147 = arith.index_cast %parallel_loop3A_136 : i32 to index
        %parallel_loop3A_148 = tpu.vector_load %arg9[%parallel_loop3A_146, %parallel_loop3A_147] {strides = array<i32>} : memref<8x2048xf32, #tpu.memory_space<vmem>>, vector<1x16xf32>,
        %parallel_loop3A_149 = vector.shape_cast %parallel_loop3A_148 : vector<1x16xf32> to vector<16xf32>
        %parallel_loop3A_150 = vector.shape_cast %parallel_loop3A_144 : vector<16xf32> to vector<1x16xf32>
        tpu.vector_store %arg9[%parallel_loop3A_146, %parallel_loop3A_147], %parallel_loop3A_150 {strides = array<i32>} : memref<8x2048xf32, #tpu.memory_space<vmem>>, vector<1x16xf32>,
        %parallel_loop3A_151 = arith.constant 1 : i32
        %parallel_loop3A_152 = arith.index_cast %parallel_loop3A_151 : i32 to index
        %parallel_loop3A_153 = arith.index_cast %parallel_loop3A_136 : i32 to index
        %parallel_loop3A_154 = tpu.vector_load %arg9[%parallel_loop3A_152, %parallel_loop3A_153] {strides = array<i32>} : memref<8x2048xf32, #tpu.memory_space<vmem>>, vector<1x16xf32>,
        %parallel_loop3A_155 = vector.shape_cast %parallel_loop3A_154 : vector<1x16xf32> to vector<16xf32>
        %parallel_loop3A_156 = arith.constant 45.2548332 : f32
        %parallel_loop3A_157 = vector.broadcast %parallel_loop3A_156 : f32 to vector<16xf32>
        %parallel_loop3A_158 = arith.mulf %parallel_loop3A_155, %parallel_loop3A_157 : vector<16xf32>
        %parallel_loop3A_159 = arith.constant 1 : i32
        %parallel_loop3A_160 = arith.index_cast %parallel_loop3A_159 : i32 to index
        %parallel_loop3A_161 = arith.index_cast %parallel_loop3A_136 : i32 to index
        %parallel_loop3A_162 = tpu.vector_load %arg9[%parallel_loop3A_160, %parallel_loop3A_161] {strides = array<i32>} : memref<8x2048xf32, #tpu.memory_space<vmem>>, vector<1x16xf32>,
        %parallel_loop3A_163 = vector.shape_cast %parallel_loop3A_162 : vector<1x16xf32> to vector<16xf32>
        %parallel_loop3A_164 = vector.shape_cast %parallel_loop3A_158 : vector<16xf32> to vector<1x16xf32>
        tpu.vector_store %arg9[%parallel_loop3A_160, %parallel_loop3A_161], %parallel_loop3A_164 {strides = array<i32>} : memref<8x2048xf32, #tpu.memory_space<vmem>>, vector<1x16xf32>,
        %parallel_loop3A_165 = arith.constant 2 : i32
        %parallel_loop3A_166 = arith.index_cast %parallel_loop3A_165 : i32 to index
        %parallel_loop3A_167 = arith.index_cast %parallel_loop3A_136 : i32 to index
        %parallel_loop3A_168 = tpu.vector_load %arg9[%parallel_loop3A_166, %parallel_loop3A_167] {strides = array<i32>} : memref<8x2048xf32, #tpu.memory_space<vmem>>, vector<1x16xf32>,
        %parallel_loop3A_169 = vector.shape_cast %parallel_loop3A_168 : vector<1x16xf32> to vector<16xf32>
        %parallel_loop3A_170 = arith.constant 45.2548332 : f32
        %parallel_loop3A_171 = vector.broadcast %parallel_loop3A_170 : f32 to vector<16xf32>
        %parallel_loop3A_172 = arith.mulf %parallel_loop3A_169, %parallel_loop3A_171 : vector<16xf32>
        %parallel_loop3A_173 = arith.constant 2 : i32
        %parallel_loop3A_174 = arith.index_cast %parallel_loop3A_173 : i32 to index
        %parallel_loop3A_175 = arith.index_cast %parallel_loop3A_136 : i32 to index
        %parallel_loop3A_176 = tpu.vector_load %arg9[%parallel_loop3A_174, %parallel_loop3A_175] {strides = array<i32>} : memref<8x2048xf32, #tpu.memory_space<vmem>>, vector<1x16xf32>,
        %parallel_loop3A_177 = vector.shape_cast %parallel_loop3A_176 : vector<1x16xf32> to vector<16xf32>
        %parallel_loop3A_178 = vector.shape_cast %parallel_loop3A_172 : vector<16xf32> to vector<1x16xf32>
        tpu.vector_store %arg9[%parallel_loop3A_174, %parallel_loop3A_175], %parallel_loop3A_178 {strides = array<i32>} : memref<8x2048xf32, #tpu.memory_space<vmem>>, vector<1x16xf32>,
        %parallel_loop3A_179 = arith.constant 3 : i32
        %parallel_loop3A_180 = arith.index_cast %parallel_loop3A_179 : i32 to index
        %parallel_loop3A_181 = arith.index_cast %parallel_loop3A_136 : i32 to index
        %parallel_loop3A_182 = tpu.vector_load %arg9[%parallel_loop3A_180, %parallel_loop3A_181] {strides = array<i32>} : memref<8x2048xf32, #tpu.memory_space<vmem>>, vector<1x16xf32>,
        %parallel_loop3A_183 = vector.shape_cast %parallel_loop3A_182 : vector<1x16xf32> to vector<16xf32>
        %parallel_loop3A_184 = arith.constant 45.2548332 : f32
        %parallel_loop3A_185 = vector.broadcast %parallel_loop3A_184 : f32 to vector<16xf32>
        %parallel_loop3A_186 = arith.mulf %parallel_loop3A_183, %parallel_loop3A_185 : vector<16xf32>
        %parallel_loop3A_187 = arith.constant 3 : i32
        %parallel_loop3A_188 = arith.index_cast %parallel_loop3A_187 : i32 to index
        %parallel_loop3A_189 = arith.index_cast %parallel_loop3A_136 : i32 to index
        %parallel_loop3A_190 = tpu.vector_load %arg9[%parallel_loop3A_188, %parallel_loop3A_189] {strides = array<i32>} : memref<8x2048xf32, #tpu.memory_space<vmem>>, vector<1x16xf32>,
        %parallel_loop3A_191 = vector.shape_cast %parallel_loop3A_190 : vector<1x16xf32> to vector<16xf32>
        %parallel_loop3A_192 = vector.shape_cast %parallel_loop3A_186 : vector<16xf32> to vector<1x16xf32>
        tpu.vector_store %arg9[%parallel_loop3A_188, %parallel_loop3A_189], %parallel_loop3A_192 {strides = array<i32>} : memref<8x2048xf32, #tpu.memory_space<vmem>>, vector<1x16xf32>,
        %parallel_loop3A_193 = arith.constant 4 : i32
        %parallel_loop3A_194 = arith.index_cast %parallel_loop3A_193 : i32 to index
        %parallel_loop3A_195 = arith.index_cast %parallel_loop3A_136 : i32 to index
        %parallel_loop3A_196 = tpu.vector_load %arg9[%parallel_loop3A_194, %parallel_loop3A_195] {strides = array<i32>} : memref<8x2048xf32, #tpu.memory_space<vmem>>, vector<1x16xf32>,
        %parallel_loop3A_197 = vector.shape_cast %parallel_loop3A_196 : vector<1x16xf32> to vector<16xf32>
        %parallel_loop3A_198 = arith.constant 45.2548332 : f32
        %parallel_loop3A_199 = vector.broadcast %parallel_loop3A_198 : f32 to vector<16xf32>
        %parallel_loop3A_200 = arith.mulf %parallel_loop3A_197, %parallel_loop3A_199 : vector<16xf32>
        %parallel_loop3A_201 = arith.constant 4 : i32
        %parallel_loop3A_202 = arith.index_cast %parallel_loop3A_201 : i32 to index
        %parallel_loop3A_203 = arith.index_cast %parallel_loop3A_136 : i32 to index
        %parallel_loop3A_204 = tpu.vector_load %arg9[%parallel_loop3A_202, %parallel_loop3A_203] {strides = array<i32>} : memref<8x2048xf32, #tpu.memory_space<vmem>>, vector<1x16xf32>,
        %parallel_loop3A_205 = vector.shape_cast %parallel_loop3A_204 : vector<1x16xf32> to vector<16xf32>
        %parallel_loop3A_206 = vector.shape_cast %parallel_loop3A_200 : vector<16xf32> to vector<1x16xf32>
        tpu.vector_store %arg9[%parallel_loop3A_202, %parallel_loop3A_203], %parallel_loop3A_206 {strides = array<i32>} : memref<8x2048xf32, #tpu.memory_space<vmem>>, vector<1x16xf32>,
        %parallel_loop3A_207 = arith.constant 5 : i32
        %parallel_loop3A_208 = arith.index_cast %parallel_loop3A_207 : i32 to index
        %parallel_loop3A_209 = arith.index_cast %parallel_loop3A_136 : i32 to index
        %parallel_loop3A_210 = tpu.vector_load %arg9[%parallel_loop3A_208, %parallel_loop3A_209] {strides = array<i32>} : memref<8x2048xf32, #tpu.memory_space<vmem>>, vector<1x16xf32>,
        %parallel_loop3A_211 = vector.shape_cast %parallel_loop3A_210 : vector<1x16xf32> to vector<16xf32>
        %parallel_loop3A_212 = arith.constant 45.2548332 : f32
        %parallel_loop3A_213 = vector.broadcast %parallel_loop3A_212 : f32 to vector<16xf32>
        %parallel_loop3A_214 = arith.mulf %parallel_loop3A_211, %parallel_loop3A_213 : vector<16xf32>
        %parallel_loop3A_215 = arith.constant 5 : i32
        %parallel_loop3A_216 = arith.index_cast %parallel_loop3A_215 : i32 to index
        %parallel_loop3A_217 = arith.index_cast %parallel_loop3A_136 : i32 to index
        %parallel_loop3A_218 = tpu.vector_load %arg9[%parallel_loop3A_216, %parallel_loop3A_217] {strides = array<i32>} : memref<8x2048xf32, #tpu.memory_space<vmem>>, vector<1x16xf32>,
        %parallel_loop3A_219 = vector.shape_cast %parallel_loop3A_218 : vector<1x16xf32> to vector<16xf32>
        %parallel_loop3A_220 = vector.shape_cast %parallel_loop3A_214 : vector<16xf32> to vector<1x16xf32>
        tpu.vector_store %arg9[%parallel_loop3A_216, %parallel_loop3A_217], %parallel_loop3A_220 {strides = array<i32>} : memref<8x2048xf32, #tpu.memory_space<vmem>>, vector<1x16xf32>,
        %parallel_loop3A_221 = arith.constant 6 : i32
        %parallel_loop3A_222 = arith.index_cast %parallel_loop3A_221 : i32 to index
        %parallel_loop3A_223 = arith.index_cast %parallel_loop3A_136 : i32 to index
        %parallel_loop3A_224 = tpu.vector_load %arg9[%parallel_loop3A_222, %parallel_loop3A_223] {strides = array<i32>} : memref<8x2048xf32, #tpu.memory_space<vmem>>, vector<1x16xf32>,
        %parallel_loop3A_225 = vector.shape_cast %parallel_loop3A_224 : vector<1x16xf32> to vector<16xf32>
        %parallel_loop3A_226 = arith.constant 45.2548332 : f32
        %parallel_loop3A_227 = vector.broadcast %parallel_loop3A_226 : f32 to vector<16xf32>
        %parallel_loop3A_228 = arith.mulf %parallel_loop3A_225, %parallel_loop3A_227 : vector<16xf32>
        %parallel_loop3A_229 = arith.constant 6 : i32
        %parallel_loop3A_230 = arith.index_cast %parallel_loop3A_229 : i32 to index
        %parallel_loop3A_231 = arith.index_cast %parallel_loop3A_136 : i32 to index
        %parallel_loop3A_232 = tpu.vector_load %arg9[%parallel_loop3A_230, %parallel_loop3A_231] {strides = array<i32>} : memref<8x2048xf32, #tpu.memory_space<vmem>>, vector<1x16xf32>,
        %parallel_loop3A_233 = vector.shape_cast %parallel_loop3A_232 : vector<1x16xf32> to vector<16xf32>
        %parallel_loop3A_234 = vector.shape_cast %parallel_loop3A_228 : vector<16xf32> to vector<1x16xf32>
        tpu.vector_store %arg9[%parallel_loop3A_230, %parallel_loop3A_231], %parallel_loop3A_234 {strides = array<i32>} : memref<8x2048xf32, #tpu.memory_space<vmem>>, vector<1x16xf32>,
        %parallel_loop3A_235 = arith.constant 7 : i32
        %parallel_loop3A_236 = arith.index_cast %parallel_loop3A_235 : i32 to index
        %parallel_loop3A_237 = arith.index_cast %parallel_loop3A_136 : i32 to index
        %parallel_loop3A_238 = tpu.vector_load %arg9[%parallel_loop3A_236, %parallel_loop3A_237] {strides = array<i32>} : memref<8x2048xf32, #tpu.memory_space<vmem>>, vector<1x16xf32>,
        %parallel_loop3A_239 = vector.shape_cast %parallel_loop3A_238 : vector<1x16xf32> to vector<16xf32>
        %parallel_loop3A_240 = arith.constant 45.2548332 : f32
        %parallel_loop3A_241 = vector.broadcast %parallel_loop3A_240 : f32 to vector<16xf32>
        %parallel_loop3A_242 = arith.mulf %parallel_loop3A_239, %parallel_loop3A_241 : vector<16xf32>
        %parallel_loop3A_243 = arith.constant 7 : i32
        %parallel_loop3A_244 = arith.index_cast %parallel_loop3A_243 : i32 to index
        %parallel_loop3A_245 = arith.index_cast %parallel_loop3A_136 : i32 to index
        %parallel_loop3A_246 = tpu.vector_load %arg9[%parallel_loop3A_244, %parallel_loop3A_245] {strides = array<i32>} : memref<8x2048xf32, #tpu.memory_space<vmem>>, vector<1x16xf32>,
        %parallel_loop3A_247 = vector.shape_cast %parallel_loop3A_246 : vector<1x16xf32> to vector<16xf32>
        %parallel_loop3A_248 = vector.shape_cast %parallel_loop3A_242 : vector<16xf32> to vector<1x16xf32>
        tpu.vector_store %arg9[%parallel_loop3A_244, %parallel_loop3A_245], %parallel_loop3A_248 {strides = array<i32>} : memref<8x2048xf32, #tpu.memory_space<vmem>>, vector<1x16xf32>,
      } {sc.loop_unroll_factor = 2 : i64, sc.parallel_access}
      %mul3A_128 = arith.constant 8 : i32
      %mul3A_129 = arith.muli %add3A_112, %mul3A_128 : i32
      %add3A_130 = arith.addi %mul3A_2, %mul3A_129 : i32
      %dma_start3A_131 = arith.constant 0 : i32
      %dma_start3A_132 = tpu.memref_slice %arg4[%add3A_130, %dma_start3A_131] : memref<32768x2048xf32, #tpu.memory_space<hbm>> -> memref<8x2048xf32, #tpu.memory_space<hbm>>
      %dma_start3A_133 = arith.constant 0 : i32
      %dma_start3A_134 = tpu.memref_slice %arg4[%add3A_130, %dma_start3A_133] : memref<32768x2048xf32, #tpu.memory_space<hbm>> -> memref<8x2048xf32, #tpu.memory_space<hbm>>
      tpu.enqueue_dma source(%arg9 : memref<8x2048xf32, #tpu.memory_space<vmem>>) target(%dma_start3A_134 : memref<8x2048xf32, #tpu.memory_space<hbm>>) target_semaphore(%arg17 : memref<!tpu.dma_semaphore, #tpu.memory_space<semaphore_mem>>)
      %scan3A_135 = arith.constant 0 : i32
      scf.yield %scan3A_135 : i32
    }
    %scan3A_17 = arith.constant 32 : i32
    %dma_wait3A = arith.constant 0 : i32
    %dma_wait3A_18 = tpu.memref_slice %arg4[%mul3A_2, %dma_wait3A] : memref<32768x2048xf32, #tpu.memory_space<hbm>> -> memref<8x2048xf32, #tpu.memory_space<hbm>>
    %dma_wait3A_19 = arith.constant 0 : i32
    %dma_wait3A_20 = tpu.memref_slice %arg4[%mul3A_2, %dma_wait3A_19] : memref<32768x2048xf32, #tpu.memory_space<hbm>> -> memref<8x2048xf32, #tpu.memory_space<hbm>>
    tpu.wait_dma2 semaphore(%arg14 : memref<!tpu.dma_semaphore, #tpu.memory_space<semaphore_mem>>) src(%arg6 : memref<8x2048xf32, #tpu.memory_space<vmem>>) dst(%dma_wait3A_20 : memref<8x2048xf32, #tpu.memory_space<hbm>>)
    %dma_wait3A_21 = arith.constant 0 : i32
    %dma_wait3A_22 = tpu.memref_slice %arg4[%mul3A_2, %dma_wait3A_21] : memref<32768x2048xf32, #tpu.memory_space<hbm>> -> memref<8x2048xf32, #tpu.memory_space<hbm>>
    %dma_wait3A_23 = arith.constant 0 : i32
    %dma_wait3A_24 = tpu.memref_slice %arg4[%mul3A_2, %dma_wait3A_23] : memref<32768x2048xf32, #tpu.memory_space<hbm>> -> memref<8x2048xf32, #tpu.memory_space<hbm>>
    tpu.wait_dma2 semaphore(%arg15 : memref<!tpu.dma_semaphore, #tpu.memory_space<semaphore_mem>>) src(%arg7 : memref<8x2048xf32, #tpu.memory_space<vmem>>) dst(%dma_wait3A_24 : memref<8x2048xf32, #tpu.memory_space<hbm>>)
    %dma_wait3A_25 = arith.constant 0 : i32
    %dma_wait3A_26 = tpu.memref_slice %arg4[%mul3A_2, %dma_wait3A_25] : memref<32768x2048xf32, #tpu.memory_space<hbm>> -> memref<8x2048xf32, #tpu.memory_space<hbm>>
    %dma_wait3A_27 = arith.constant 0 : i32
    %dma_wait3A_28 = tpu.memref_slice %arg4[%mul3A_2, %dma_wait3A_27] : memref<32768x2048xf32, #tpu.memory_space<hbm>> -> memref<8x2048xf32, #tpu.memory_space<hbm>>
    tpu.wait_dma2 semaphore(%arg16 : memref<!tpu.dma_semaphore, #tpu.memory_space<semaphore_mem>>) src(%arg8 : memref<8x2048xf32, #tpu.memory_space<vmem>>) dst(%dma_wait3A_28 : memref<8x2048xf32, #tpu.memory_space<hbm>>)
    %dma_wait3A_29 = arith.constant 0 : i32
    %dma_wait3A_30 = tpu.memref_slice %arg4[%mul3A_2, %dma_wait3A_29] : memref<32768x2048xf32, #tpu.memory_space<hbm>> -> memref<8x2048xf32, #tpu.memory_space<hbm>>
    %dma_wait3A_31 = arith.constant 0 : i32
    %dma_wait3A_32 = tpu.memref_slice %arg4[%mul3A_2, %dma_wait3A_31] : memref<32768x2048xf32, #tpu.memory_space<hbm>> -> memref<8x2048xf32, #tpu.memory_space<hbm>>
    tpu.wait_dma2 semaphore(%arg17 : memref<!tpu.dma_semaphore, #tpu.memory_space<semaphore_mem>>) src(%arg9 : memref<8x2048xf32, #tpu.memory_space<vmem>>) dst(%dma_wait3A_32 : memref<8x2048xf32, #tpu.memory_space<hbm>>)
    return
  }
}

</mosaic_0001>

<sc_bundles>
// kernel: kernel.3.cloned.1.call-start
scs
__scs_entry_jumppad:
0x0: {  	(pc) =	sbr.rel $0x88, $3  }
0x1: {  	(tag) =	ssettag $0x0;
	lr =	simm.s32 $0x1  }
0x2: {  	[smem:$0x3F9F] =	sst lr;
	_ =	strace $0xD0000000  }
0x3: {  	_ = 	snop  }
0x4: {  	_ = 	snop  }
0x5: {  	_ = 	snop  }
0x6: {  	_ = 	snop  }
0x7: {  	_ = 	snop  }
__scs_overlays_trampoline_lowered:
0x8: {  	[smem:$0x3FAE] =	sst s0  }
0x9: {  	[smem:$0x3FAF] =	sst s1  }
0xa: {  	[smem:$0x3FB0] =	sst s2  }
0xb: {  	[smem:$0x3FB1] =	sst s3  }
0xc: {  	[smem:$0x3FB2] =	sst s4  }
0xd: {  	[smem:$0x3FB3] =	sst s5  }
0xe: {  	[smem:$0x3FB4] =	sst s6  }
0xf: {  	[smem:$0x3FB5] =	sst s7  }
0x10: {  	[smem:$0x3FB6] =	sst s8  }
0x11: {  	[smem:$0x3FB7] =	sst s9;
	s0 =	simm.s32 @!p0 $0x0  }
0x12: {  	s1 =	sld [smem:$0x3F9D];
	s0 =	simm.s32 @p0 $0x1  }
0x13: {  	[smem:$0x3FB8] =	sst s0;
	s0 =	simm.s32 @!p1 $0x0  }
0x14: {  	s2 =	sld [smem:$0x3F9C];
	s0 =	simm.s32 @p1 $0x1  }
0x15: {  	[smem:$0x3FB9] =	sst s0;
	s0 =	simm.s32 @!p2 $0x0  }
0x16: {  	s3 =	sld [smem:$0x3FDB];
	s0 =	simm.s32 @p2 $0x1  }
0x17: {  	s4 =	simm.s32 $0x1BF5;
	[smem:$0x3FBB] =	sst s0  }
0x18: {  	s0 =	sld [smem:$0x3F9E];
	_ =	swait.ge [sflag:s4], $0x0  }
0x19: {  	s7 =	sld [smem:$0x3F9F]  }
0x1a: {  	s8 =	sadd.s32 $0xFFFFE003, lr  }
0x1b: {  	s9 =	sadd.s32 $0xFFFFFEF7, lr;
	s5 =	simm.s32 $0xFFFFFFFF;
	p2 =	slt.u32 s8, $0xFFFFF086  }
0x1c: {  	p1 =	slt.u32 s9, $0xF7A;
	s5 =	simm.s32 @!p2 $0x0  }
0x1d: {  	s5 =	simm.s32 @p1 $0x1;
	p0 =	seq.s32 s7, s2  }
0x1e: {  	s7 =	smul.u32 @!p0 $0xF7A, s2;
	p2 =	seq.s32 @!p0 s5, $0x0  }
0x1f: {  	s9 =	smul.u32 $0xF7A, s1;
	s8 =	simm.s32 @!p0 $0x1BF5;
	p2 =	por !p2, p0  }
0x20: {  	[sflag:s8] =	ssyncset.s32 @!p0 $0xFFFFF086;
	s6 =	sadd.s32 @!p0 s3, s7;
	s7 =	simm.s32 @!p0 $0x108  }
0x21: {  	s3 =	sadd.s32 s3, s9;
	s6 =	sadd.s32 @!p0 $0x88, s6;
	s7 =	simm.s32 @p2 $0x1082  }
0x22: {  	[simem:s7], [sflag:s8] =	dma.local @!p0 [hbm:s6], $0xF7A  }
0x23: {  	s9 =	sor.u32 $0xD0000000, s2;
	s6 =	simm.s32 $0x108;
	_ =	swait.ge @!p0 [sflag:s8], $0x0  }
0x24: {  	s3 =	sadd.s32 $0x88, s3;
	s6 =	simm.s32 @!p1 $0x1082;
	[sflag:s4] =	ssyncset.s32 $0xFFFFF086  }
0x25: {  	[simem:s6], [sflag:s4] =	dma.local [hbm:s3], $0xF7A  }
0x26: {  	[smem:$0x3F9F] =	sst s1;
	(tag) =	ssettag s2;
	_ =	strace s9  }
0x27: {  	s1 =	sld [smem:$0x3FAF]  }
0x28: {  	s2 =	sld [smem:$0x3FB0]  }
0x29: {  	s4 =	sld [smem:$0x3FB2]  }
0x2a: {  	p0 =	seq.s32 s5, $0x0;
	s5 =	sld [smem:$0x3FB3]  }
0x2b: {  	s6 =	sld [smem:$0x3FB4]  }
0x2c: {  	s7 =	sld [smem:$0x3FB5]  }
0x2d: {  	s3 =	simm.s32 $0x108;
	s8 =	sld [smem:$0x3FB6]  }
0x2e: {  	s3 =	simm.s32 @!p0 $0x1082;
	s9 =	sld [smem:$0x3FB7]  }
0x2f: {  	lr =	sadd.s32 s0, s3;
	s0 =	sld [smem:$0x3FAE]  }
0x30: {  	s3 =	sld [smem:$0x3FB1]  }
0x31: {  	[smem:$0x3FBA] =	sst s10  }
0x32: {  	s10 =	sld [smem:$0x3FB8];
	_ =	sdelay $0x3  }
0x33: {  	p0 =	seq.s32 s10, $0x1;
	s10 =	sld [smem:$0x3FBA];
	_ =	sdelay $0x3  }
0x34: {  	[smem:$0x3FBA] =	sst s10  }
0x35: {  	s10 =	sld [smem:$0x3FB9];
	_ =	sdelay $0x3  }
0x36: {  	p1 =	seq.s32 s10, $0x1;
	s10 =	sld [smem:$0x3FBA];
	_ =	sdelay $0x3  }
0x37: {  	[smem:$0x3FBA] =	sst s10  }
0x38: {  	s10 =	sld [smem:$0x3FBB]  }
0x39: {  	_ = 	snop;
	(pc) =	sbr.ind lr, $3  }
0x3a: {  	_ = 	snop  }
0x3b: {  	_ = 	snop  }
0x3c: {  	p2 =	seq.s32 s10, $0x1;
	s10 =	sld [smem:$0x3FBA]  }
0x3d: {  	_ =	shalt  }
0x3e: {  	_ =	shalt  }
0x3f: {  	_ =	shalt  }
0x40: {  	_ =	shalt  }
0x41: {  	_ =	shalt  }
0x42: {  	_ =	shalt  }
0x43: {  	_ =	shalt  }
0x44: {  	_ =	shalt  }
0x45: {  	_ =	shalt  }
0x46: {  	_ =	shalt  }
0x47: {  	_ =	shalt  }
0x48: {  	_ =	shalt  }
0x49: {  	_ =	shalt  }
0x4a: {  	_ =	shalt  }
0x4b: {  	_ =	shalt  }
0x4c: {  	_ =	shalt  }
0x4d: {  	_ =	shalt  }
0x4e: {  	_ =	shalt  }
0x4f: {  	_ =	shalt  }
0x50: {  	_ =	shalt  }
0x51: {  	_ =	shalt  }
0x52: {  	_ =	shalt  }
0x53: {  	_ =	shalt  }
0x54: {  	_ =	shalt  }
0x55: {  	_ =	shalt  }
0x56: {  	_ =	shalt  }
0x57: {  	_ =	shalt  }
0x58: {  	_ =	shalt  }
0x59: {  	_ =	shalt  }
0x5a: {  	_ =	shalt  }
0x5b: {  	_ =	shalt  }
0x5c: {  	_ =	shalt  }
0x5d: {  	_ =	shalt  }
0x5e: {  	_ =	shalt  }
0x5f: {  	_ =	shalt  }
0x60: {  	_ =	shalt  }
0x61: {  	_ =	shalt  }
0x62: {  	_ =	shalt  }
0x63: {  	_ =	shalt  }
0x64: {  	_ =	shalt  }
0x65: {  	_ =	shalt  }
0x66: {  	_ =	shalt  }
0x67: {  	_ =	shalt  }
0x68: {  	_ =	shalt  }
0x69: {  	_ =	shalt  }
0x6a: {  	_ =	shalt  }
0x6b: {  	_ =	shalt  }
0x6c: {  	_ =	shalt  }
0x6d: {  	_ =	shalt  }
0x6e: {  	_ =	shalt  }
0x6f: {  	_ =	shalt  }
0x70: {  	_ =	shalt  }
0x71: {  	_ =	shalt  }
0x72: {  	_ =	shalt  }
0x73: {  	_ =	shalt  }
0x74: {  	_ =	shalt  }
0x75: {  	_ =	shalt  }
0x76: {  	_ =	shalt  }
0x77: {  	_ =	shalt  }
0x78: {  	_ =	shalt  }
0x79: {  	_ =	shalt  }
0x7a: {  	_ =	shalt  }
0x7b: {  	_ =	shalt  }
0x7c: {  	_ =	shalt  }
0x7d: {  	_ =	shalt  }
0x7e: {  	_ =	shalt  }
0x7f: {  	_ =	shalt  }
0x80: {  	_ =	shalt  }
0x81: {  	_ =	shalt  }
0x82: {  	_ =	shalt  }
0x83: {  	_ =	shalt  }
0x84: {  	_ =	shalt  }
0x85: {  	_ =	shalt  }
0x86: {  	_ =	shalt  }
0x87: {  	_ =	shalt  }
.Lfunc_end0:
.L_simem_size_0:
called_computation_lowered:
.L_overlay_start_0:
0x88: {  	s2 =	sld [smem:$0x3FD9]  }
0x89: {  	s3 =	sld [smem:$0x3FFE];
	_ =	sdelay $0x1  }
0x8a: {  	s1 =	srdreg.scid  }
0x8b: {  	s0 =	sand.u32 $0x1, s1  }
0x8c: {  	s17 =	sshll.u32 s0, $0xA;
	s2 =	sadd.s32 s3, s2  }
0x8d: {  	s2 =	sadd.s32 s2, s17  }
0x8e: {  	[smem:$0x3FC6] =	sst s2  }
0x8f: {  	_ = 	snop  }
0x90: {  	s2 =	sld [smem:$0x3FC8]  }
0x91: {  	s18 =	sld [smem:$0x3FD0];
	(tm) =	ssettm $0x1  }
0x92: {  	s4 =	sld [smem:$0x3FFB];
	_ =	sdelay $0x3  }
0x93: {  	_ =	strace s4  }
0x94: {  	s4 =	sld [smem:$0x3FFC];
	_ =	sdelay $0x3  }
0x95: {  	_ =	strace s4  }
0x96: {  	s4 =	sld [smem:$0x3FFD];
	_ =	sdelay $0x3  }
0x97: {  	_ =	strace s4  }
0x98: {  	_ =	strace $0x8FFFFFFF  }
0x99: {  	s19 =	sld [smem:$0x3FDB];
	_ =	sdelay $0x1  }
0x9a: {  	s5 =	simm.s32 $_scs_section_size  }
0x9b: {  	s6 =	simm.s32 $_size__tile_overlayer_lowered;
	s7 =	simm.s32 $_tile_overlayer_lowered  }
0x9c: {  	s22 =	simm.s32 $0x1BFF;
	s21 =	sshll.u32 s7, $0x1;
	s4 =	sadd.s32 s5, s19  }
0x9d: {  	s8 =	simm.s32 $0x0;
	s20 =	sshll.u32 s6, $0x1;
	s6 =	sadd.s32 s21, s4  }
0x9e: {  	[timem:s8], [sflag:s22] =	dma.local [hbm:s6], s20  }
0x9f: {  	_ =	swait.ge [sflag:s22], s20  }
0xa0: {  	s5 =	ssub.s32 $0x0, s20;
	[sflag:s22] =	ssyncset.done $0x0  }
0xa1: {  	[sflag:s22] =	ssyncadd.s32 s5;
	_ =	sdelay $0x1  }
0xa2: {  	s23 =	simm.s32 $0x1B8B  }
0xa3: {  	_ =	swait.ge [sflag:s23], $0x1  }
0xa4: {  	[sflag:s23] =	ssyncset.done $0x0  }
0xa5: {  	s25 =	simm.s32 $0x1B8E;
	s24 =	sld [smem:$0x3FFE];
	[sflag:s23] =	ssyncadd.s32 $0xFFFFFFFF  }
0xa6: {  	s26 =	simm.s32 $execute0_lowered;
	[smem:$0x3FD2] =	sst s25  }
0xa7: {  	s6 =	sshll.u32 s26, $0x1;
	_ =	strace $0x80000046;
	[dreg:$0x1] =	wrdreg $0xFFFFFFFF  }
0xa8: {  	s28 =	simm.s32 $_size_execute0_lowered;
	s4 =	sadd.s32 s4, s6;
	[dreg:$0x0] =	wrdreg $0x0  }
0xa9: {  	s6 =	sshll.u32 s28, $0x1;
	[dreg:$0x2] =	wrdreg s4  }
0xaa: {  	[dreg:$0x3] =	wrdreg s6  }
0xab: {  	[dreg:$0x4] =	wrdreg $0xC0  }
0xac: {  	_ =	task [dreg:s8], $0x5FFFF  }
0xad: {  	[dreg:$0x1] =	wrdreg $0xFFFFFFFF  }
0xae: {  	[dreg:$0x0] =	wrdreg $0x60  }
0xaf: {  	[dreg:$0x2] =	wrdreg s24  }
0xb0: {  	[dreg:$0x3] =	wrdreg s2  }
0xb1: {  	[dreg:$0x4] =	wrdreg s18  }
0xb2: {  	[dreg:$0x5] =	wrdreg $0x9  }
0xb3: {  	_ =	task.clear_ibuf [dreg:s8], $0x6FFFF;
	_ =	strace $0x90000046  }
0xb4: {  	s29 =	simm.s32 $0x9;
	_ =	strace $0x80000048  }
0xb5: {  	_ =	swait.ge [sflag:s29], $0x1  }
0xb6: {  	[sflag:s29] =	ssyncadd.s32 $0xFFFFFFFF  }
0xb7: {  	_ =	strace $0x90000048  }
0xb8: {  	_ =	sfence  }
0xb9: {  	s30 =	sld [smem:$0x0];
	_ =	sdelay $0x2  }
0xba: {  	s31 =	sshll.u32 s1, $0xD;
	s1 =	sshrl.u32 s1, $0x2  }
0xbb: {  	s3 =	sand.u32 $0x4000, s31;
	s1 =	sadd.s32 s1, s30  }
0xbc: {  	s0 =	sor.u32 s3, s0;
	s1 =	sshll.u32 s1, $0x11  }
0xbd: {  	s0 =	sor.u32 s1, s0  }
0xbe: {  	s0 =	sadd.s32 $0x8F2B, s0  }
0xbf: {  	[sflag:s0] =	ssyncadd.remote.s32 $0x1  }
0xc0: {  	_ =	sfence.sel $0xFFFF  }
0xc1: {  	[dreg:$0x0] =	wrdreg $0xFFFFFFFF;
	(pc) =	sbr.abs _section_cstart, $3  }
0xc2: {  	[dreg:$0x1] =	wrdreg $0xFFFFFFFF  }
0xc3: {  	_ =	task.clear_ibuf [dreg:s8], $0x2FFFF;
	_ =	strace $0x9FFFFFFF  }
0xc4: {  	(tm) =	ssettm $0x7FFFFFFF  }
0xc5: {  	_ =	shalt  }
tec
execute0_lowered:
.L_overlay_start_1:
0x0: {  	(tag) =	ssettag $0x1  }
0x1: {  	s0 =	rddreg [dreg:$0x0]  }
0x2: {  	s2 =	rddreg [dreg:$0x1];
	s1 =	srdreg.scid  }
0x3: {  	s30 =	rddreg [dreg:$0x2];
	s3 =	stileid.u32  }
0x4: {  	s4 =	simm.s32 $0x0;
	s31 =	simm.s32 $0x8400;
	s22 =	simm.s32 $0x2  }
0x5: {  	s23 =	simm.s32 $0x3;
	s24 =	simm.s32 $0x4;
	s1 =	sand.u32 $0x1, s1  }
0x6: {  	s3 =	sshll.u32 s3, $0xB;
	[smem:$0x7FF] =	sst s4;
	s7 =	sadd.s32 $0x100, s2  }
0x7: {  	s8 =	sadd.s32 $0x200, s2;
	s5 =	sshll.u32 s1, $0xA;
	s1 =	ssub.s32 $0x2, s1  }
0x8: {  	s9 =	sadd.s32 $0x300, s2;
	s3 =	sor.u32 s5, s3;
	s6 =	sshrl.u32 s1, $0x1  }
0x9: {  	s10 =	sadd.s32 $0x400, s2;
	s5 =	sshrl.u32 s3, $0x3;
	s1 =	ssub.s32 s1, s6  }
0xa: {  	_ =	strace $0x80000047;
	s0 =	sadd.s32 s5, s0;
	s1 =	smax.u32 s1, $0x1  }
0xb: {  	s29 =	sshll.u32 s3, $0x8;
	s0 =	sadd.s32 $0x400, s0;
	[dreg:$0x6] =	wrdreg s1  }
0xc: {  	v0 =	vlaneseq.u32;
	s11 =	sadd.s32 $0x500, s2;
	[dreg:$0x4] =	wrdreg s0;
	s0 =	sadd.s32 s30, s29  }
0xd: {  	s12 =	sadd.s32 $0x600, s2;
	v1 =	vshrl.u32 v0, $0x3;
	[dreg:$0x5] =	wrdreg s0;
	s0 =	sadd.s32 $0x800, s0  }
0xe: {  	vm0 =	vmmov $0xffff;
	s14 =	sadd.s32 $0x700, s2;
	v0 =	vand.u32 $0x7, v0;
	v1 =	vmul.u32 $0x8, v1;
	s3 =	simm.s32 $0x0;
	[dreg:$0x7] =	wrdreg s0  }
.LBB2_1:
0xf: {  	[dreg:$0x8] =	wrdreg s3  }
0x10: {  	s0 =	rddreg [dreg:$0x4];
	s28 =	simm.s32 $0x9  }
0x11: {  	[tilespmem:s4], [sflag:$0x9] =	stream.linear.gather [hbm4b:s0+s4], $0x400, $0x38;
	[tilespmem:$0x10400] =	vst v63  }
0x12: {  	_ =	swait.ge [sflag:s28], $0x400  }
0x13: {  	[sflag:s28] =	ssyncset.done $0x0  }
0x14: {  	[sflag:s28] =	ssyncadd.s32 $0xFFFFFC00  }
0x15: {  	v2 =	vld.msk [tilespmem:$0x0], $0xff;
	_ =	sdelay $0x4  }
0x16: {  	v3 =	vshll.u32 v2, $0x4  }
0x17: {  	v2 =	vand.u32 $0x7, v2;
	v3 =	vand.u32 $0xFFFFFF80, v3  }
0x18: {  	v2 =	vor.u32 v2, v3  }
0x19: {  	v2 =	vperm.xlane v2, v0;
	_ =	sdelay $0x1  }
0x1a: {  	v2 =	vadd.s32 v1, v2;
	_ =	sdelay $0x3  }
0x1b: {  	s29 =	simm.s32 $0x400  }
0x1c: {  	[tilespmem:s29], [sflag:$0x1] =	stream.indirect_vreg.gather [hbm4b:s2+s4], $0x80, v2, vm0, $0xb8;
	[tilespmem:$0x10400] =	vst v63  }
0x1d: {  	s1 =	simm.s32 $0xC00  }
0x1e: {  	[tilespmem:s1], [sflag:$0x1] =	stream.indirect_vreg.gather [hbm4b:s7+s4], $0x80, v2, vm0, $0xb8;
	[tilespmem:$0x10400] =	vst v63  }
0x1f: {  	s3 =	simm.s32 $0x1400  }
0x20: {  	[tilespmem:s3], [sflag:$0x1] =	stream.indirect_vreg.gather [hbm4b:s8+s4], $0x80, v2, vm0, $0xb8;
	[tilespmem:$0x10400] =	vst v63  }
0x21: {  	s6 =	simm.s32 $0x1C00  }
0x22: {  	[tilespmem:s6], [sflag:$0x1] =	stream.indirect_vreg.gather [hbm4b:s9+s4], $0x80, v2, vm0, $0xb8;
	[tilespmem:$0x10400] =	vst v63  }
0x23: {  	s13 =	simm.s32 $0x2400  }
0x24: {  	[tilespmem:s13], [sflag:$0x1] =	stream.indirect_vreg.gather [hbm4b:s10+s4], $0x80, v2, vm0, $0xb8;
	[tilespmem:$0x10400] =	vst v63  }
0x25: {  	s15 =	simm.s32 $0x2C00  }
0x26: {  	[tilespmem:s15], [sflag:$0x1] =	stream.indirect_vreg.gather [hbm4b:s11+s4], $0x80, v2, vm0, $0xb8;
	[tilespmem:$0x10400] =	vst v63  }
0x27: {  	s16 =	simm.s32 $0x3400  }
0x28: {  	[tilespmem:s16], [sflag:$0x1] =	stream.indirect_vreg.gather [hbm4b:s12+s4], $0x80, v2, vm0, $0xb8;
	[tilespmem:$0x10400] =	vst v63  }
0x29: {  	s17 =	simm.s32 $0x3C00  }
0x2a: {  	[tilespmem:s17], [sflag:$0x1] =	stream.indirect_vreg.gather [hbm4b:s14+s4], $0x80, v2, vm0, $0xb8;
	[tilespmem:$0x10400] =	vst v63  }
0x2b: {  	v2 =	vld.msk [tilespmem:$0x8], $0xff;
	_ =	sdelay $0x4  }
0x2c: {  	v3 =	vshll.u32 v2, $0x4  }
0x2d: {  	v2 =	vand.u32 $0x7, v2;
	v3 =	vand.u32 $0xFFFFFF80, v3  }
0x2e: {  	v2 =	vor.u32 v2, v3  }
0x2f: {  	v2 =	vperm.xlane v2, v0;
	_ =	sdelay $0x1  }
0x30: {  	v2 =	vadd.s32 v1, v2;
	_ =	sdelay $0x3  }
0x31: {  	s18 =	simm.s32 $0x4400  }
0x32: {  	[tilespmem:s18], [sflag:$0x2] =	stream.indirect_vreg.gather [hbm4b:s2+s4], $0x80, v2, vm0, $0xb8;
	[tilespmem:$0x10400] =	vst v63  }
0x33: {  	s19 =	simm.s32 $0x4C00  }
0x34: {  	[tilespmem:s19], [sflag:$0x2] =	stream.indirect_vreg.gather [hbm4b:s7+s4], $0x80, v2, vm0, $0xb8;
	[tilespmem:$0x10400] =	vst v63  }
0x35: {  	s20 =	simm.s32 $0x5400  }
0x36: {  	[tilespmem:s20], [sflag:$0x2] =	stream.indirect_vreg.gather [hbm4b:s8+s4], $0x80, v2, vm0, $0xb8;
	[tilespmem:$0x10400] =	vst v63  }
0x37: {  	s21 =	simm.s32 $0x5C00  }
0x38: {  	[tilespmem:s21], [sflag:$0x2] =	stream.indirect_vreg.gather [hbm4b:s9+s4], $0x80, v2, vm0, $0xb8;
	[tilespmem:$0x10400] =	vst v63  }
0x39: {  	s25 =	simm.s32 $0x6400  }
0x3a: {  	[tilespmem:s25], [sflag:$0x2] =	stream.indirect_vreg.gather [hbm4b:s10+s4], $0x80, v2, vm0, $0xb8;
	[tilespmem:$0x10400] =	vst v63  }
0x3b: {  	s26 =	simm.s32 $0x6C00  }
0x3c: {  	[tilespmem:s26], [sflag:$0x2] =	stream.indirect_vreg.gather [hbm4b:s11+s4], $0x80, v2, vm0, $0xb8;
	[tilespmem:$0x10400] =	vst v63  }
0x3d: {  	s28 =	simm.s32 $0x7400  }
0x3e: {  	[tilespmem:s28], [sflag:$0x2] =	stream.indirect_vreg.gather [hbm4b:s12+s4], $0x80, v2, vm0, $0xb8;
	[tilespmem:$0x10400] =	vst v63  }
0x3f: {  	s29 =	simm.s32 $0x7C00;
	s25 =	simm.s32 $0x0  }
0x40: {  	[tilespmem:s29], [sflag:$0x2] =	stream.indirect_vreg.gather [hbm4b:s14+s4], $0x80, v2, vm0, $0xb8;
	[tilespmem:$0x10400] =	vst v63  }
.LBB2_2:
0x41: {  	p0 =	seq.s32 s25, $0x0  }
0x42: {  	s0 =	sshll.u32 s25, $0x2;
	s1 =	simm.s32 @!p0 $0x7  }
0x43: {  	s29 =	sor.u32 $0x2, s0;
	_ =	swait.ge @!p0 [sflag:s1], $0x4000  }
0x44: {  	s3 =	sshll.u32 s29, $0x3;
	[sflag:s1] =	ssyncset.done @!p0 $0x0  }
0x45: {  	s21 =	sand.u32 $0x3FFFFFF8, s3;
	[sflag:s1] =	ssyncadd.s32 @!p0 $0xFFFFC000  }
0x46: {  	v2 =	vld.msk [tilespmem:s21+$0x0], $0xff;
	_ =	sdelay $0x4  }
0x47: {  	v3 =	vshll.u32 v2, $0x4  }
0x48: {  	v2 =	vand.u32 $0x7, v2;
	v3 =	vand.u32 $0xFFFFFF80, v3  }
0x49: {  	v2 =	vor.u32 v2, v3  }
0x4a: {  	v2 =	vperm.xlane v2, v0;
	_ =	sdelay $0x1  }
0x4b: {  	v2 =	vadd.s32 v1, v2;
	_ =	sdelay $0x3  }
0x4c: {  	s26 =	simm.s32 $0x0  }
0x4d: {  	[tilespmem:s31], [sflag:$0x3] =	stream.indirect_vreg.gather [hbm4b:s2+s26], $0x80, v2, vm0, $0xb8;
	[tilespmem:$0x10400] =	vst v63  }
0x4e: {  	s31 =	simm.s32 $0x8C00  }
0x4f: {  	[tilespmem:s31], [sflag:$0x3] =	stream.indirect_vreg.gather [hbm4b:s7+s26], $0x80, v2, vm0, $0xb8;
	[tilespmem:$0x10400] =	vst v63  }
0x50: {  	s6 =	simm.s32 $0x9400  }
0x51: {  	[tilespmem:s6], [sflag:$0x3] =	stream.indirect_vreg.gather [hbm4b:s8+s26], $0x80, v2, vm0, $0xb8;
	[tilespmem:$0x10400] =	vst v63  }
0x52: {  	s13 =	simm.s32 $0x9C00  }
0x53: {  	[tilespmem:s13], [sflag:$0x3] =	stream.indirect_vreg.gather [hbm4b:s9+s26], $0x80, v2, vm0, $0xb8;
	[tilespmem:$0x10400] =	vst v63  }
0x54: {  	s15 =	simm.s32 $0xA400  }
0x55: {  	[tilespmem:s15], [sflag:$0x3] =	stream.indirect_vreg.gather [hbm4b:s10+s26], $0x80, v2, vm0, $0xb8;
	[tilespmem:$0x10400] =	vst v63  }
0x56: {  	s16 =	simm.s32 $0xAC00  }
0x57: {  	[tilespmem:s16], [sflag:$0x3] =	stream.indirect_vreg.gather [hbm4b:s11+s26], $0x80, v2, vm0, $0xb8;
	[tilespmem:$0x10400] =	vst v63  }
0x58: {  	s17 =	simm.s32 $0xB400  }
0x59: {  	[tilespmem:s17], [sflag:$0x3] =	stream.indirect_vreg.gather [hbm4b:s12+s26], $0x80, v2, vm0, $0xb8;
	[tilespmem:$0x10400] =	vst v63  }
0x5a: {  	s18 =	simm.s32 $0xBC00;
	s13 =	simm.s32 $0x1  }
0x5b: {  	[tilespmem:s18], [sflag:$0x3] =	stream.indirect_vreg.gather [hbm4b:s14+s26], $0x80, v2, vm0, $0xb8;
	[tilespmem:$0x10400] =	vst v63  }
0x5c: {  	s19 =	simm.s32 $0x0;
	_ =	swait.ge [sflag:s13], $0x4000  }
0x5d: {  	s3 =	sand.u32 $0x60, s19;
	s6 =	sand.u32 $0x3C00, s26;
	[sflag:s13] =	ssyncset.done $0x0  }
0x5e: {  	s20 =	sor.u32 s3, s6;
	[sflag:s13] =	ssyncadd.s32 $0xFFFFC000  }
0x5f: {  	v2 =	vld [tilespmem:s20+$0x410]  }
0x60: {  	v3 =	vld [tilespmem:s20+$0x490]  }
0x61: {  	v4 =	vld [tilespmem:s20+$0x510]  }
0x62: {  	v5 =	vld [tilespmem:s20+$0x590]  }
0x63: {  	v6 =	vld [tilespmem:s20+$0x610]  }
0x64: {  	v7 =	vld [tilespmem:s20+$0x690];
	v2 =	vmul.f32 $4.525483320e+01, v2  }
0x65: {  	v3 =	vmul.f32 $4.525483320e+01, v3  }
0x66: {  	[tilespmem:s20+$0x410] =	vst v2;
	v2 =	vmul.f32 $4.525483320e+01, v4  }
0x67: {  	s1 =	sand.u32 $0x3, s26;
	v4 =	vld [tilespmem:s20+$0x400];
	[tilespmem:s20+$0x490] =	vst v3;
	v3 =	vmul.f32 $4.525483320e+01, v5  }
0x68: {  	s1 =	sshll.u32 s1, $0x5;
	v5 =	vld [tilespmem:s20+$0x480];
	[tilespmem:s20+$0x510] =	vst v2;
	v2 =	vmul.f32 $4.525483320e+01, v6  }
0x69: {  	s6 =	sadd.s32 $0x0, s1;
	v6 =	vld [tilespmem:s20+$0x500];
	[tilespmem:s20+$0x590] =	vst v3;
	v3 =	vmul.f32 $4.525483320e+01, v7  }
0x6a: {  	s1 =	sadd.s32 $0x10, s6;
	v7 =	vld [tilespmem:s20+$0x580];
	[tilespmem:s20+$0x610] =	vst v2  }
0x6b: {  	s21 =	simm.s32 $0x20;
	s15 =	sor.u32 $0x300, s1;
	s16 =	simm.s32 $0x100;
	v2 =	vld [tilespmem:s20+$0x600];
	[tilespmem:s20+$0x690] =	vst v3  }
0x6c: {  	s3 =	sand.u32 $0x60, s21;
	s16 =	sand.u32 $0x3C00, s16;
	v3 =	vmul.f32 $4.525483320e+01, v4;
	v4 =	vld [tilespmem:s15+$0x400]  }
0x6d: {  	s3 =	sor.u32 s3, s16;
	v8 =	vld [tilespmem:s20+$0x680];
	v5 =	vmul.f32 $4.525483320e+01, v5  }
0x6e: {  	[tilespmem:s20+$0x400] =	vst v3;
	v3 =	vmul.f32 $4.525483320e+01, v6;
	v6 =	vld [tilespmem:s3+$0x410]  }
0x6f: {  	[tilespmem:s20+$0x480] =	vst v5;
	v5 =	vmul.f32 $4.525483320e+01, v7;
	v7 =	vld [tilespmem:s3+$0x490]  }
0x70: {  	[tilespmem:s20+$0x500] =	vst v3;
	v2 =	vmul.f32 $4.525483320e+01, v2;
	v3 =	vld [tilespmem:s3+$0x510]  }
0x71: {  	[tilespmem:s20+$0x580] =	vst v5;
	v5 =	vld [tilespmem:s3+$0x590];
	v4 =	vmul.f32 $4.525483320e+01, v4  }
0x72: {  	v8 =	vmul.f32 $4.525483320e+01, v8;
	[tilespmem:s20+$0x600] =	vst v2;
	v2 =	vld [tilespmem:s3+$0x610]  }
0x73: {  	s1 =	sor.u32 $0x380, s1;
	v9 =	vld [tilespmem:s3+$0x690];
	v6 =	vmul.f32 $4.525483320e+01, v6;
	[tilespmem:s15+$0x400] =	vst v4  }
0x74: {  	[tilespmem:s20+$0x680] =	vst v8;
	v4 =	vmul.f32 $4.525483320e+01, v7;
	v7 =	vld [tilespmem:s1+$0x400]  }
0x75: {  	s26 =	simm.s32 $0x1;
	v8 =	vld [tilespmem:s3+$0x400];
	[tilespmem:s3+$0x410] =	vst v6;
	v3 =	vmul.f32 $4.525483320e+01, v3  }
0x76: {  	s13 =	sand.u32 $0x3, s26;
	v6 =	vld [tilespmem:s3+$0x480];
	[tilespmem:s3+$0x490] =	vst v4;
	v4 =	vmul.f32 $4.525483320e+01, v5  }
0x77: {  	s13 =	sshll.u32 s13, $0x5;
	v5 =	vld [tilespmem:s3+$0x500];
	[tilespmem:s3+$0x510] =	vst v3;
	v2 =	vmul.f32 $4.525483320e+01, v2  }
0x78: {  	s13 =	sadd.s32 $0x100, s13;
	v3 =	vld [tilespmem:s3+$0x580];
	[tilespmem:s3+$0x590] =	vst v4;
	v4 =	vmul.f32 $4.525483320e+01, v9  }
0x79: {  	s31 =	sadd.s32 $0x10, s13;
	v9 =	vld [tilespmem:s3+$0x600];
	[tilespmem:s3+$0x610] =	vst v2;
	v2 =	vmul.f32 $4.525483320e+01, v7  }
0x7a: {  	s28 =	simm.s32 $0x40;
	s19 =	simm.s32 $0x200;
	s20 =	sor.u32 $0x300, s31;
	v7 =	vmul.f32 $4.525483320e+01, v8;
	v8 =	vld [tilespmem:s3+$0x680];
	[tilespmem:s3+$0x690] =	vst v4  }
0x7b: {  	s21 =	sand.u32 $0x60, s28;
	s17 =	sor.u32 $0x300, s6;
	s18 =	sand.u32 $0x3C00, s19;
	v4 =	vmul.f32 $4.525483320e+01, v6;
	[tilespmem:s1+$0x400] =	vst v2;
	v2 =	vld [tilespmem:s20+$0x400]  }
0x7c: {  	v6 =	vld [tilespmem:s17+$0x400];
	v5 =	vmul.f32 $4.525483320e+01, v5;
	[tilespmem:s3+$0x400] =	vst v7;
	s1 =	sor.u32 s21, s18  }
0x7d: {  	[tilespmem:s3+$0x480] =	vst v4;
	v3 =	vmul.f32 $4.525483320e+01, v3;
	v4 =	vld [tilespmem:s1+$0x410]  }
0x7e: {  	[tilespmem:s3+$0x500] =	vst v5;
	v5 =	vmul.f32 $4.525483320e+01, v9;
	v7 =	vld [tilespmem:s1+$0x490]  }
0x7f: {  	[tilespmem:s3+$0x580] =	vst v3;
	v3 =	vmul.f32 $4.525483320e+01, v8;
	v8 =	vld [tilespmem:s1+$0x510]  }
0x80: {  	[tilespmem:s3+$0x600] =	vst v5;
	v5 =	vld [tilespmem:s1+$0x590];
	v2 =	vmul.f32 $4.525483320e+01, v2  }
0x81: {  	v9 =	vld [tilespmem:s1+$0x610];
	v6 =	vmul.f32 $4.525483320e+01, v6;
	[tilespmem:s3+$0x680] =	vst v3  }
0x82: {  	s18 =	sor.u32 $0x380, s31;
	v10 =	vld [tilespmem:s1+$0x690];
	v3 =	vmul.f32 $4.525483320e+01, v4;
	[tilespmem:s20+$0x400] =	vst v2  }
0x83: {  	[tilespmem:s17+$0x400] =	vst v6;
	v4 =	vmul.f32 $4.525483320e+01, v7;
	v7 =	vld [tilespmem:s18+$0x400]  }
0x84: {  	v11 =	vld [tilespmem:s1+$0x400];
	[tilespmem:s1+$0x410] =	vst v3;
	v6 =	vmul.f32 $4.525483320e+01, v8  }
0x85: {  	s21 =	simm.s32 $0x2;
	v2 =	vld [tilespmem:s1+$0x480];
	[tilespmem:s1+$0x490] =	vst v4;
	v5 =	vmul.f32 $4.525483320e+01, v5  }
0x86: {  	s26 =	sand.u32 $0x3, s21;
	v3 =	vld [tilespmem:s1+$0x500];
	v8 =	vmul.f32 $4.525483320e+01, v9;
	[tilespmem:s1+$0x510] =	vst v6  }
0x87: {  	s6 =	sor.u32 $0x380, s6;
	s15 =	sor.u32 $0x380, s13;
	s3 =	sshll.u32 s26, $0x5;
	v4 =	vld [tilespmem:s1+$0x580];
	v9 =	vmul.f32 $4.525483320e+01, v10;
	[tilespmem:s1+$0x590] =	vst v5  }
0x88: {  	s17 =	sor.u32 $0x300, s13;
	s31 =	sadd.s32 $0x200, s3;
	v6 =	vld [tilespmem:s1+$0x600];
	[tilespmem:s1+$0x610] =	vst v8;
	v5 =	vmul.f32 $4.525483320e+01, v7  }
0x89: {  	s26 =	sor.u32 $0x300, s31;
	s3 =	sor.u32 $0x380, s31;
	s13 =	sadd.s32 $0x10, s31;
	v8 =	vmul.f32 $4.525483320e+01, v11;
	[tilespmem:s1+$0x690] =	vst v9;
	v7 =	vld [tilespmem:s1+$0x680]  }
.LBB2_3:
0x8a: {  	s28 =	sadd.s32 $0x20, s28;
	v2 =	vmul.f32 $4.525483320e+01, v2;
	s16 =	sor.u32 $0x300, s13;
	s19 =	sadd.s32 $0x100, s19;
	v9 =	vld [tilespmem:s17+$0x400];
	[tilespmem:s18+$0x400] =	vst v5  }
0x8b: {  	s18 =	sand.u32 $0x60, s28;
	s20 =	sand.u32 $0x3C00, s19;
	[tilespmem:s1+$0x400] =	vst v8;
	v3 =	vmul.f32 $4.525483320e+01, v3;
	v5 =	vld [tilespmem:s16+$0x400]  }
0x8c: {  	s18 =	sor.u32 s18, s20;
	[tilespmem:s1+$0x480] =	vst v2;
	v2 =	vmul.f32 $4.525483320e+01, v4;
	v4 =	vld [tilespmem:s6+$0x400]  }
0x8d: {  	v8 =	vld [tilespmem:s18+$0x410];
	[tilespmem:s1+$0x500] =	vst v3;
	v3 =	vmul.f32 $4.525483320e+01, v6  }
0x8e: {  	v6 =	vld [tilespmem:s18+$0x490];
	[tilespmem:s1+$0x580] =	vst v2;
	v2 =	vmul.f32 $4.525483320e+01, v7  }
0x8f: {  	v7 =	vld [tilespmem:s18+$0x510];
	[tilespmem:s1+$0x600] =	vst v3;
	v3 =	vmul.f32 $4.525483320e+01, v9  }
0x90: {  	p1 =	slt.u32 s28, $0x7E0;
	v9 =	vld [tilespmem:s18+$0x590];
	[tilespmem:s1+$0x680] =	vst v2;
	v2 =	vmul.f32 $4.525483320e+01, v5;
	s1 =	smov.u32 s18  }
0x91: {  	v5 =	vld [tilespmem:s1+$0x610];
	[tilespmem:s17+$0x400] =	vst v3;
	v3 =	vmul.f32 $4.525483320e+01, v4;
	s17 =	smov.u32 s26  }
0x92: {  	s18 =	sor.u32 $0x380, s13;
	v4 =	vmul.f32 $4.525483320e+01, v8;
	v8 =	vld [tilespmem:s1+$0x690];
	[tilespmem:s16+$0x400] =	vst v2  }
0x93: {  	v6 =	vmul.f32 $4.525483320e+01, v6;
	v10 =	vld [tilespmem:s18+$0x400];
	[tilespmem:s6+$0x400] =	vst v3;
	s6 =	smov.u32 s15;
	s15 =	smov.u32 s3  }
0x94: {  	v11 =	vld [tilespmem:s1+$0x400];
	[tilespmem:s1+$0x410] =	vst v4;
	v4 =	vmul.f32 $4.525483320e+01, v7  }
.Ltmp0:
0x95: {  	s21 =	sadd.s32 $0x1, s21;
	v2 =	vld [tilespmem:s1+$0x480];
	[tilespmem:s1+$0x490] =	vst v6;
	v6 =	vmul.f32 $4.525483320e+01, v9;
	(pc) =	sbr.rel @p1 .LBB2_3-.Ltmp0, $4  }
0x96: {  	s3 =	sand.u32 $0x3, s21;
	v3 =	vld [tilespmem:s1+$0x500];
	[tilespmem:s1+$0x510] =	vst v4;
	v5 =	vmul.f32 $4.525483320e+01, v5  }
0x97: {  	s3 =	sshll.u32 s3, $0x5;
	v4 =	vld [tilespmem:s1+$0x580];
	[tilespmem:s1+$0x590] =	vst v6;
	v9 =	vmul.f32 $4.525483320e+01, v8  }
0x98: {  	s13 =	sadd.s32 s3, s19;
	v6 =	vld [tilespmem:s1+$0x600];
	[tilespmem:s1+$0x610] =	vst v5;
	v5 =	vmul.f32 $4.525483320e+01, v10  }
0x99: {  	s26 =	sor.u32 $0x300, s13;
	s3 =	sor.u32 $0x380, s13;
	s13 =	sadd.s32 $0x10, s13;
	v8 =	vmul.f32 $4.525483320e+01, v11;
	v7 =	vld [tilespmem:s1+$0x680];
	[tilespmem:s1+$0x690] =	vst v9  }
0x9a: {  	v2 =	vmul.f32 $4.525483320e+01, v2  }
0x9b: {  	[tilespmem:s1+$0x400] =	vst v8;
	v3 =	vmul.f32 $4.525483320e+01, v3  }
0x9c: {  	[tilespmem:s1+$0x480] =	vst v2;
	v2 =	vmul.f32 $4.525483320e+01, v4  }
0x9d: {  	[tilespmem:s1+$0x500] =	vst v3;
	v3 =	vmul.f32 $4.525483320e+01, v6  }
0x9e: {  	s16 =	sor.u32 $0x300, s13;
	[tilespmem:s1+$0x580] =	vst v2;
	v2 =	vmul.f32 $4.525483320e+01, v7  }
0x9f: {  	v4 =	vld [tilespmem:s16+$0x400];
	[tilespmem:s1+$0x600] =	vst v3  }
0xa0: {  	v3 =	vld [tilespmem:s17+$0x400];
	[tilespmem:s1+$0x680] =	vst v2  }
0xa1: {  	v2 =	vld [tilespmem:s26+$0x400];
	_ =	sdelay $0x2  }
0xa2: {  	v4 =	vmul.f32 $4.525483320e+01, v4  }
0xa3: {  	v3 =	vmul.f32 $4.525483320e+01, v3  }
0xa4: {  	v6 =	vld [tilespmem:s6+$0x400];
	[tilespmem:s16+$0x400] =	vst v4;
	s16 =	sor.u32 $0x380, s13;
	v2 =	vmul.f32 $4.525483320e+01, v2  }
0xa5: {  	[tilespmem:s17+$0x400] =	vst v3;
	v3 =	vld [tilespmem:s16+$0x400]  }
0xa6: {  	v4 =	vld [tilespmem:s15+$0x400];
	[tilespmem:s26+$0x400] =	vst v2  }
0xa7: {  	v2 =	vld [tilespmem:s3+$0x400];
	_ =	sdelay $0x1  }
0xa8: {  	v6 =	vmul.f32 $4.525483320e+01, v6  }
0xa9: {  	[tilespmem:s18+$0x400] =	vst v5;
	v3 =	vmul.f32 $4.525483320e+01, v3  }
0xaa: {  	[tilespmem:s6+$0x400] =	vst v6;
	v4 =	vmul.f32 $4.525483320e+01, v4  }
0xab: {  	[tilespmem:s16+$0x400] =	vst v3;
	v2 =	vmul.f32 $4.525483320e+01, v2  }
0xac: {  	[tilespmem:s15+$0x400] =	vst v4  }
0xad: {  	[tilespmem:s3+$0x400] =	vst v2  }
0xae: {  	s1 =	sshll.u32 s25, $0xD;
	s3 =	rddreg [dreg:$0x5]  }
0xaf: {  	s17 =	simm.s32 $0x400;
	s3 =	sadd.s32 s1, s3  }
0xb0: {  	[hbm4b:s3+s4] =	stream.linear.scatter [tilespmem:s17], [sflag:$0x5], $0x4000, $0x38;
	[tilespmem:$0x10400] =	vst v63  }
0xb1: {  	s3 =	simm.s32 @!p0 $0x8  }
0xb2: {  	s28 =	sor.u32 $0x3, s0;
	_ =	swait.ge @!p0 [sflag:s3], $0x4000  }
0xb3: {  	s0 =	sshll.u32 s28, $0x3;
	[sflag:s3] =	ssyncset.done @!p0 $0x0  }
0xb4: {  	s0 =	sand.u32 $0x3FFFFFF8, s0;
	[sflag:s3] =	ssyncadd.s32 @!p0 $0xFFFFC000  }
0xb5: {  	v2 =	vld.msk [tilespmem:s0+$0x0], $0xff;
	_ =	sdelay $0x4  }
0xb6: {  	v3 =	vshll.u32 v2, $0x4  }
0xb7: {  	v2 =	vand.u32 $0x7, v2;
	v3 =	vand.u32 $0xFFFFFF80, v3  }
0xb8: {  	v2 =	vor.u32 v2, v3  }
0xb9: {  	v2 =	vperm.xlane v2, v0;
	_ =	sdelay $0x1  }
0xba: {  	v2 =	vadd.s32 v1, v2;
	_ =	sdelay $0x3  }
0xbb: {  	s18 =	simm.s32 $0x0;
	s19 =	simm.s32 $0xC400  }
0xbc: {  	[tilespmem:s19], [sflag:$0x4] =	stream.indirect_vreg.gather [hbm4b:s2+s18], $0x80, v2, vm0, $0xb8;
	[tilespmem:$0x10400] =	vst v63  }
0xbd: {  	s20 =	simm.s32 $0xCC00  }
0xbe: {  	[tilespmem:s20], [sflag:$0x4] =	stream.indirect_vreg.gather [hbm4b:s7+s18], $0x80, v2, vm0, $0xb8;
	[tilespmem:$0x10400] =	vst v63  }
0xbf: {  	s21 =	simm.s32 $0xD400  }
0xc0: {  	[tilespmem:s21], [sflag:$0x4] =	stream.indirect_vreg.gather [hbm4b:s8+s18], $0x80, v2, vm0, $0xb8;
	[tilespmem:$0x10400] =	vst v63  }
0xc1: {  	s26 =	simm.s32 $0xDC00  }
0xc2: {  	[tilespmem:s26], [sflag:$0x4] =	stream.indirect_vreg.gather [hbm4b:s9+s18], $0x80, v2, vm0, $0xb8;
	[tilespmem:$0x10400] =	vst v63  }
0xc3: {  	s31 =	simm.s32 $0xE400  }
0xc4: {  	[tilespmem:s31], [sflag:$0x4] =	stream.indirect_vreg.gather [hbm4b:s10+s18], $0x80, v2, vm0, $0xb8;
	[tilespmem:$0x10400] =	vst v63  }
0xc5: {  	s6 =	simm.s32 $0xEC00  }
0xc6: {  	[tilespmem:s6], [sflag:$0x4] =	stream.indirect_vreg.gather [hbm4b:s11+s18], $0x80, v2, vm0, $0xb8;
	[tilespmem:$0x10400] =	vst v63  }
0xc7: {  	s13 =	simm.s32 $0xF400  }
0xc8: {  	[tilespmem:s13], [sflag:$0x4] =	stream.indirect_vreg.gather [hbm4b:s12+s18], $0x80, v2, vm0, $0xb8;
	[tilespmem:$0x10400] =	vst v63  }
0xc9: {  	s15 =	simm.s32 $0xFC00  }
0xca: {  	[tilespmem:s15], [sflag:$0x4] =	stream.indirect_vreg.gather [hbm4b:s14+s18], $0x80, v2, vm0, $0xb8;
	[tilespmem:$0x10400] =	vst v63  }
0xcb: {  	s16 =	simm.s32 $0x0;
	_ =	swait.ge [sflag:s22], $0x4000  }
0xcc: {  	s17 =	sand.u32 $0x3C00, s18;
	s3 =	sand.u32 $0x60, s16;
	[sflag:s22] =	ssyncset.done $0x0  }
0xcd: {  	s6 =	sor.u32 s3, s17;
	[sflag:s22] =	ssyncadd.s32 $0xFFFFC000  }
0xce: {  	v2 =	vld [tilespmem:s6+$0x4410]  }
0xcf: {  	v3 =	vld [tilespmem:s6+$0x4490]  }
0xd0: {  	v4 =	vld [tilespmem:s6+$0x4510]  }
0xd1: {  	v5 =	vld [tilespmem:s6+$0x4590]  }
0xd2: {  	v6 =	vld [tilespmem:s6+$0x4610]  }
0xd3: {  	v7 =	vld [tilespmem:s6+$0x4690];
	v2 =	vmul.f32 $4.525483320e+01, v2  }
0xd4: {  	v3 =	vmul.f32 $4.525483320e+01, v3  }
0xd5: {  	[tilespmem:s6+$0x4410] =	vst v2;
	v2 =	vmul.f32 $4.525483320e+01, v4  }
0xd6: {  	s0 =	sand.u32 $0x3, s18;
	v4 =	vld [tilespmem:s6+$0x4400];
	[tilespmem:s6+$0x4490] =	vst v3;
	v3 =	vmul.f32 $4.525483320e+01, v5  }
0xd7: {  	s0 =	sshll.u32 s0, $0x5;
	v5 =	vld [tilespmem:s6+$0x4480];
	[tilespmem:s6+$0x4510] =	vst v2;
	v2 =	vmul.f32 $4.525483320e+01, v6  }
0xd8: {  	s15 =	sadd.s32 $0x0, s0;
	v6 =	vld [tilespmem:s6+$0x4500];
	[tilespmem:s6+$0x4590] =	vst v3;
	v3 =	vmul.f32 $4.525483320e+01, v7  }
0xd9: {  	s0 =	sadd.s32 $0x10, s15;
	v7 =	vld [tilespmem:s6+$0x4580];
	[tilespmem:s6+$0x4610] =	vst v2  }
0xda: {  	s20 =	simm.s32 $0x100;
	s18 =	simm.s32 $0x20;
	s19 =	sor.u32 $0x300, s0;
	v2 =	vld [tilespmem:s6+$0x4600];
	[tilespmem:s6+$0x4690] =	vst v3  }
0xdb: {  	s16 =	sand.u32 $0x3C00, s20;
	s3 =	sand.u32 $0x60, s18;
	v3 =	vmul.f32 $4.525483320e+01, v4;
	v4 =	vld [tilespmem:s19+$0x4400]  }
0xdc: {  	s3 =	sor.u32 s3, s16;
	v8 =	vld [tilespmem:s6+$0x4680];
	v5 =	vmul.f32 $4.525483320e+01, v5  }
0xdd: {  	[tilespmem:s6+$0x4400] =	vst v3;
	v3 =	vmul.f32 $4.525483320e+01, v6;
	v6 =	vld [tilespmem:s3+$0x4410]  }
0xde: {  	[tilespmem:s6+$0x4480] =	vst v5;
	v5 =	vmul.f32 $4.525483320e+01, v7;
	v7 =	vld [tilespmem:s3+$0x4490]  }
0xdf: {  	[tilespmem:s6+$0x4500] =	vst v3;
	v2 =	vmul.f32 $4.525483320e+01, v2;
	v3 =	vld [tilespmem:s3+$0x4510]  }
0xe0: {  	[tilespmem:s6+$0x4580] =	vst v5;
	v5 =	vld [tilespmem:s3+$0x4590];
	v4 =	vmul.f32 $4.525483320e+01, v4  }
0xe1: {  	v8 =	vmul.f32 $4.525483320e+01, v8;
	[tilespmem:s6+$0x4600] =	vst v2;
	v2 =	vld [tilespmem:s3+$0x4610]  }
0xe2: {  	s0 =	sor.u32 $0x380, s0;
	v9 =	vld [tilespmem:s3+$0x4690];
	v6 =	vmul.f32 $4.525483320e+01, v6;
	[tilespmem:s19+$0x4400] =	vst v4  }
0xe3: {  	[tilespmem:s6+$0x4680] =	vst v8;
	v4 =	vmul.f32 $4.525483320e+01, v7;
	v7 =	vld [tilespmem:s0+$0x4400]  }
0xe4: {  	s21 =	simm.s32 $0x1;
	v8 =	vld [tilespmem:s3+$0x4400];
	[tilespmem:s3+$0x4410] =	vst v6;
	v3 =	vmul.f32 $4.525483320e+01, v3  }
0xe5: {  	s6 =	sand.u32 $0x3, s21;
	v6 =	vld [tilespmem:s3+$0x4480];
	[tilespmem:s3+$0x4490] =	vst v4;
	v4 =	vmul.f32 $4.525483320e+01, v5  }
0xe6: {  	s6 =	sshll.u32 s6, $0x5;
	v5 =	vld [tilespmem:s3+$0x4500];
	[tilespmem:s3+$0x4510] =	vst v3;
	v2 =	vmul.f32 $4.525483320e+01, v2  }
0xe7: {  	s13 =	sadd.s32 $0x100, s6;
	v3 =	vld [tilespmem:s3+$0x4580];
	[tilespmem:s3+$0x4590] =	vst v4;
	v4 =	vmul.f32 $4.525483320e+01, v9  }
0xe8: {  	s26 =	sadd.s32 $0x10, s13;
	v9 =	vld [tilespmem:s3+$0x4600];
	[tilespmem:s3+$0x4610] =	vst v2;
	v2 =	vmul.f32 $4.525483320e+01, v7  }
0xe9: {  	s19 =	simm.s32 $0x40;
	s6 =	simm.s32 $0x200;
	s18 =	sor.u32 $0x300, s26;
	v7 =	vmul.f32 $4.525483320e+01, v8;
	v8 =	vld [tilespmem:s3+$0x4680];
	[tilespmem:s3+$0x4690] =	vst v4  }
0xea: {  	s21 =	sor.u32 $0x300, s15;
	s31 =	sand.u32 $0x60, s19;
	s20 =	sand.u32 $0x3C00, s6;
	v4 =	vmul.f32 $4.525483320e+01, v6;
	[tilespmem:s0+$0x4400] =	vst v2;
	v2 =	vld [tilespmem:s18+$0x4400]  }
0xeb: {  	v6 =	vld [tilespmem:s21+$0x4400];
	v5 =	vmul.f32 $4.525483320e+01, v5;
	[tilespmem:s3+$0x4400] =	vst v7;
	s0 =	sor.u32 s31, s20  }
0xec: {  	[tilespmem:s3+$0x4480] =	vst v4;
	v3 =	vmul.f32 $4.525483320e+01, v3;
	v4 =	vld [tilespmem:s0+$0x4410]  }
0xed: {  	[tilespmem:s3+$0x4500] =	vst v5;
	v5 =	vmul.f32 $4.525483320e+01, v9;
	v7 =	vld [tilespmem:s0+$0x4490]  }
0xee: {  	[tilespmem:s3+$0x4580] =	vst v3;
	v3 =	vmul.f32 $4.525483320e+01, v8;
	v8 =	vld [tilespmem:s0+$0x4510]  }
0xef: {  	[tilespmem:s3+$0x4600] =	vst v5;
	v5 =	vld [tilespmem:s0+$0x4590];
	v2 =	vmul.f32 $4.525483320e+01, v2  }
0xf0: {  	v9 =	vld [tilespmem:s0+$0x4610];
	v6 =	vmul.f32 $4.525483320e+01, v6;
	[tilespmem:s3+$0x4680] =	vst v3  }
0xf1: {  	s26 =	sor.u32 $0x380, s26;
	v10 =	vld [tilespmem:s0+$0x4690];
	v3 =	vmul.f32 $4.525483320e+01, v4;
	[tilespmem:s18+$0x4400] =	vst v2  }
0xf2: {  	[tilespmem:s21+$0x4400] =	vst v6;
	v4 =	vmul.f32 $4.525483320e+01, v7;
	v7 =	vld [tilespmem:s26+$0x4400]  }
0xf3: {  	v11 =	vld [tilespmem:s0+$0x4400];
	[tilespmem:s0+$0x4410] =	vst v3;
	v6 =	vmul.f32 $4.525483320e+01, v8  }
0xf4: {  	v2 =	vld [tilespmem:s0+$0x4480];
	s18 =	simm.s32 $0x2;
	[tilespmem:s0+$0x4490] =	vst v4;
	v5 =	vmul.f32 $4.525483320e+01, v5  }
0xf5: {  	s21 =	sand.u32 $0x3, s18;
	v3 =	vld [tilespmem:s0+$0x4500];
	v8 =	vmul.f32 $4.525483320e+01, v9;
	[tilespmem:s0+$0x4510] =	vst v6  }
0xf6: {  	s15 =	sor.u32 $0x380, s15;
	s17 =	sor.u32 $0x380, s13;
	v4 =	vld [tilespmem:s0+$0x4580];
	v9 =	vmul.f32 $4.525483320e+01, v10;
	s3 =	sshll.u32 s21, $0x5;
	[tilespmem:s0+$0x4590] =	vst v5  }
0xf7: {  	s21 =	sor.u32 $0x300, s13;
	s31 =	sadd.s32 $0x200, s3;
	v6 =	vld [tilespmem:s0+$0x4600];
	[tilespmem:s0+$0x4610] =	vst v8;
	v5 =	vmul.f32 $4.525483320e+01, v7  }
0xf8: {  	v8 =	vmul.f32 $4.525483320e+01, v11;
	[tilespmem:s0+$0x4690] =	vst v9;
	s13 =	sor.u32 $0x300, s31;
	s3 =	sor.u32 $0x380, s31;
	s16 =	sadd.s32 $0x10, s31;
	v7 =	vld [tilespmem:s0+$0x4680]  }
.LBB2_5:
0xf9: {  	s19 =	sadd.s32 $0x20, s19;
	v2 =	vmul.f32 $4.525483320e+01, v2;
	s20 =	sor.u32 $0x300, s16;
	s6 =	sadd.s32 $0x100, s6;
	v9 =	vld [tilespmem:s21+$0x4400];
	[tilespmem:s26+$0x4400] =	vst v5  }
0xfa: {  	s26 =	sand.u32 $0x60, s19;
	s31 =	sand.u32 $0x3C00, s6;
	[tilespmem:s0+$0x4400] =	vst v8;
	v3 =	vmul.f32 $4.525483320e+01, v3;
	v5 =	vld [tilespmem:s20+$0x4400]  }
0xfb: {  	s26 =	sor.u32 s26, s31;
	[tilespmem:s0+$0x4480] =	vst v2;
	v2 =	vmul.f32 $4.525483320e+01, v4;
	v4 =	vld [tilespmem:s15+$0x4400]  }
0xfc: {  	v8 =	vld [tilespmem:s26+$0x4410];
	[tilespmem:s0+$0x4500] =	vst v3;
	v3 =	vmul.f32 $4.525483320e+01, v6  }
0xfd: {  	v6 =	vld [tilespmem:s26+$0x4490];
	[tilespmem:s0+$0x4580] =	vst v2;
	v2 =	vmul.f32 $4.525483320e+01, v7  }
0xfe: {  	v7 =	vld [tilespmem:s26+$0x4510];
	[tilespmem:s0+$0x4600] =	vst v3;
	v3 =	vmul.f32 $4.525483320e+01, v9  }
0xff: {  	p0 =	slt.u32 s19, $0x7E0;
	v9 =	vld [tilespmem:s26+$0x4590];
	[tilespmem:s0+$0x4680] =	vst v2;
	v2 =	vmul.f32 $4.525483320e+01, v5;
	s0 =	smov.u32 s26  }
0x100: {  	v5 =	vld [tilespmem:s0+$0x4610];
	[tilespmem:s21+$0x4400] =	vst v3;
	v3 =	vmul.f32 $4.525483320e+01, v4;
	s21 =	smov.u32 s13  }
0x101: {  	s26 =	sor.u32 $0x380, s16;
	v4 =	vmul.f32 $4.525483320e+01, v8;
	v8 =	vld [tilespmem:s0+$0x4690];
	[tilespmem:s20+$0x4400] =	vst v2  }
0x102: {  	v6 =	vmul.f32 $4.525483320e+01, v6;
	v10 =	vld [tilespmem:s26+$0x4400];
	[tilespmem:s15+$0x4400] =	vst v3;
	s15 =	smov.u32 s17;
	s17 =	smov.u32 s3  }
0x103: {  	v11 =	vld [tilespmem:s0+$0x4400];
	[tilespmem:s0+$0x4410] =	vst v4;
	v4 =	vmul.f32 $4.525483320e+01, v7  }
.Ltmp1:
0x104: {  	s18 =	sadd.s32 $0x1, s18;
	v2 =	vld [tilespmem:s0+$0x4480];
	[tilespmem:s0+$0x4490] =	vst v6;
	v6 =	vmul.f32 $4.525483320e+01, v9;
	(pc) =	sbr.rel @p0 .LBB2_5-.Ltmp1, $4  }
0x105: {  	s3 =	sand.u32 $0x3, s18;
	v3 =	vld [tilespmem:s0+$0x4500];
	[tilespmem:s0+$0x4510] =	vst v4;
	v5 =	vmul.f32 $4.525483320e+01, v5  }
0x106: {  	s3 =	sshll.u32 s3, $0x5;
	v4 =	vld [tilespmem:s0+$0x4580];
	[tilespmem:s0+$0x4590] =	vst v6;
	v9 =	vmul.f32 $4.525483320e+01, v8  }
0x107: {  	s16 =	sadd.s32 s3, s6;
	v6 =	vld [tilespmem:s0+$0x4600];
	[tilespmem:s0+$0x4610] =	vst v5;
	v5 =	vmul.f32 $4.525483320e+01, v10  }
0x108: {  	s13 =	sor.u32 $0x300, s16;
	s3 =	sor.u32 $0x380, s16;
	s16 =	sadd.s32 $0x10, s16;
	v8 =	vmul.f32 $4.525483320e+01, v11;
	v7 =	vld [tilespmem:s0+$0x4680];
	[tilespmem:s0+$0x4690] =	vst v9  }
0x109: {  	v2 =	vmul.f32 $4.525483320e+01, v2  }
0x10a: {  	[tilespmem:s0+$0x4400] =	vst v8;
	v3 =	vmul.f32 $4.525483320e+01, v3  }
0x10b: {  	[tilespmem:s0+$0x4480] =	vst v2;
	v2 =	vmul.f32 $4.525483320e+01, v4  }
0x10c: {  	[tilespmem:s0+$0x4500] =	vst v3;
	v3 =	vmul.f32 $4.525483320e+01, v6  }
0x10d: {  	s6 =	sor.u32 $0x300, s16;
	[tilespmem:s0+$0x4580] =	vst v2;
	v2 =	vmul.f32 $4.525483320e+01, v7  }
0x10e: {  	v4 =	vld [tilespmem:s6+$0x4400];
	[tilespmem:s0+$0x4600] =	vst v3  }
0x10f: {  	v3 =	vld [tilespmem:s21+$0x4400];
	[tilespmem:s0+$0x4680] =	vst v2  }
0x110: {  	v2 =	vld [tilespmem:s13+$0x4400];
	_ =	sdelay $0x2  }
0x111: {  	v4 =	vmul.f32 $4.525483320e+01, v4  }
0x112: {  	v3 =	vmul.f32 $4.525483320e+01, v3  }
0x113: {  	s31 =	sor.u32 $0x380, s16;
	v6 =	vld [tilespmem:s15+$0x4400];
	[tilespmem:s6+$0x4400] =	vst v4;
	v2 =	vmul.f32 $4.525483320e+01, v2  }
0x114: {  	[tilespmem:s21+$0x4400] =	vst v3;
	v3 =	vld [tilespmem:s31+$0x4400]  }
0x115: {  	v4 =	vld [tilespmem:s17+$0x4400];
	[tilespmem:s13+$0x4400] =	vst v2  }
0x116: {  	v2 =	vld [tilespmem:s3+$0x4400];
	_ =	sdelay $0x1  }
0x117: {  	v6 =	vmul.f32 $4.525483320e+01, v6  }
0x118: {  	[tilespmem:s26+$0x4400] =	vst v5;
	v3 =	vmul.f32 $4.525483320e+01, v3  }
0x119: {  	[tilespmem:s15+$0x4400] =	vst v6;
	v4 =	vmul.f32 $4.525483320e+01, v4  }
0x11a: {  	[tilespmem:s31+$0x4400] =	vst v3;
	v2 =	vmul.f32 $4.525483320e+01, v2  }
0x11b: {  	[tilespmem:s17+$0x4400] =	vst v4  }
0x11c: {  	[tilespmem:s3+$0x4400] =	vst v2  }
0x11d: {  	s0 =	rddreg [dreg:$0x7]  }
0x11e: {  	p0 =	seq.s32 s25, $0x1F;
	s6 =	simm.s32 $0x4400;
	s0 =	sadd.s32 s0, s1  }
0x11f: {  	[hbm4b:s0+s4] =	stream.linear.scatter [tilespmem:s6], [sflag:$0x6], $0x4000, $0x38;
	[tilespmem:$0x10400] =	vst v63  }
0x120: {  	s0 =	simm.s32 @!p0 $0x5  }
0x121: {  	_ =	swait.ge @!p0 [sflag:s0], $0x4000  }
0x122: {  	s1 =	sshll.u32 @!p0 s25, $0x5;
	[sflag:s0] =	ssyncset.done @!p0 $0x0  }
0x123: {  	[sflag:s0] =	ssyncadd.s32 @!p0 $0xFFFFC000;
	s0 =	sand.u32 @!p0 $0x3FFFFFE0, s1  }
0x124: {  	v2 =	vld.msk @!p0 [tilespmem:s0+$0x20], $0xff;
	_ =	sdelay $0x4  }
0x125: {  	v3 =	vshll.u32 @!p0 v2, $0x4  }
0x126: {  	v4 =	vlaneseq.u32 @!p0;
	v2 =	vand.u32 @!p0 $0x7, v2;
	v3 =	vand.u32 @!p0 $0xFFFFFF80, v3  }
0x127: {  	v2 =	vor.u32 @!p0 v2, v3;
	v3 =	vand.u32 @!p0 $0x7, v4;
	v4 =	vshrl.u32 @!p0 v4, $0x3  }
0x128: {  	v2 =	vperm.xlane @!p0 v2, v3;
	v3 =	vmul.u32 @!p0 $0x8, v4;
	_ =	sdelay $0x1  }
0x129: {  	v2 =	vadd.s32 @!p0 v3, v2;
	_ =	sdelay $0x3  }
0x12a: {  	vm1 =	vmmov @!p0 $0xffff;
	s3 =	simm.s32 @!p0 $0x400;
	s1 =	simm.s32 @!p0 $0x0  }
0x12b: {  	[tilespmem:s3], [sflag:$0x1] =	stream.indirect_vreg.gather @!p0 [hbm4b:s2+s1], $0x80, v2, vm1, $0xb8;
	[tilespmem:$0x10400] =	vst v63  }
0x12c: {  	s3 =	simm.s32 @!p0 $0xC00  }
0x12d: {  	[tilespmem:s3], [sflag:$0x1] =	stream.indirect_vreg.gather @!p0 [hbm4b:s7+s1], $0x80, v2, vm1, $0xb8;
	[tilespmem:$0x10400] =	vst v63  }
0x12e: {  	s3 =	simm.s32 @!p0 $0x1400  }
0x12f: {  	[tilespmem:s3], [sflag:$0x1] =	stream.indirect_vreg.gather @!p0 [hbm4b:s8+s1], $0x80, v2, vm1, $0xb8;
	[tilespmem:$0x10400] =	vst v63  }
0x130: {  	s3 =	simm.s32 @!p0 $0x1C00  }
0x131: {  	[tilespmem:s3], [sflag:$0x1] =	stream.indirect_vreg.gather @!p0 [hbm4b:s9+s1], $0x80, v2, vm1, $0xb8;
	[tilespmem:$0x10400] =	vst v63  }
0x132: {  	s3 =	simm.s32 @!p0 $0x2400  }
0x133: {  	[tilespmem:s3], [sflag:$0x1] =	stream.indirect_vreg.gather @!p0 [hbm4b:s10+s1], $0x80, v2, vm1, $0xb8;
	[tilespmem:$0x10400] =	vst v63  }
0x134: {  	s3 =	simm.s32 @!p0 $0x2C00  }
0x135: {  	[tilespmem:s3], [sflag:$0x1] =	stream.indirect_vreg.gather @!p0 [hbm4b:s11+s1], $0x80, v2, vm1, $0xb8;
	[tilespmem:$0x10400] =	vst v63  }
0x136: {  	s3 =	simm.s32 @!p0 $0x3400  }
0x137: {  	[tilespmem:s3], [sflag:$0x1] =	stream.indirect_vreg.gather @!p0 [hbm4b:s12+s1], $0x80, v2, vm1, $0xb8;
	[tilespmem:$0x10400] =	vst v63  }
0x138: {  	s3 =	simm.s32 @!p0 $0x3C00  }
0x139: {  	[tilespmem:s3], [sflag:$0x1] =	stream.indirect_vreg.gather @!p0 [hbm4b:s14+s1], $0x80, v2, vm1, $0xb8;
	[tilespmem:$0x10400] =	vst v63  }
0x13a: {  	s15 =	simm.s32 $0x0;
	s13 =	simm.s32 $0x0;
	_ =	swait.ge [sflag:s23], $0x4000  }
0x13b: {  	s16 =	sand.u32 $0x3C00, s13;
	s3 =	sand.u32 $0x60, s15;
	[sflag:s23] =	ssyncset.done $0x0  }
0x13c: {  	s6 =	sor.u32 s3, s16;
	[sflag:s23] =	ssyncadd.s32 $0xFFFFC000  }
0x13d: {  	v2 =	vld [tilespmem:s6+$0x8410]  }
0x13e: {  	v3 =	vld [tilespmem:s6+$0x8490]  }
0x13f: {  	v4 =	vld [tilespmem:s6+$0x8510]  }
0x140: {  	v5 =	vld [tilespmem:s6+$0x8590]  }
0x141: {  	v6 =	vld [tilespmem:s6+$0x8610]  }
0x142: {  	v7 =	vld [tilespmem:s6+$0x8690];
	v2 =	vmul.f32 $4.525483320e+01, v2  }
0x143: {  	v3 =	vmul.f32 $4.525483320e+01, v3  }
0x144: {  	[tilespmem:s6+$0x8410] =	vst v2;
	v2 =	vmul.f32 $4.525483320e+01, v4  }
0x145: {  	s1 =	sand.u32 $0x3, s13;
	v4 =	vld [tilespmem:s6+$0x8400];
	[tilespmem:s6+$0x8490] =	vst v3;
	v3 =	vmul.f32 $4.525483320e+01, v5  }
0x146: {  	s1 =	sshll.u32 s1, $0x5;
	v5 =	vld [tilespmem:s6+$0x8480];
	[tilespmem:s6+$0x8510] =	vst v2;
	v2 =	vmul.f32 $4.525483320e+01, v6  }
0x147: {  	s15 =	sadd.s32 $0x0, s1;
	v6 =	vld [tilespmem:s6+$0x8500];
	[tilespmem:s6+$0x8590] =	vst v3;
	v3 =	vmul.f32 $4.525483320e+01, v7  }
0x148: {  	s1 =	sadd.s32 $0x10, s15;
	v7 =	vld [tilespmem:s6+$0x8580];
	[tilespmem:s6+$0x8610] =	vst v2  }
0x149: {  	s19 =	simm.s32 $0x100;
	s17 =	simm.s32 $0x20;
	s18 =	sor.u32 $0x300, s1;
	v2 =	vld [tilespmem:s6+$0x8600];
	[tilespmem:s6+$0x8690] =	vst v3  }
0x14a: {  	s3 =	sand.u32 $0x60, s17;
	s16 =	sand.u32 $0x3C00, s19;
	v3 =	vmul.f32 $4.525483320e+01, v4;
	v4 =	vld [tilespmem:s18+$0x8400]  }
0x14b: {  	s3 =	sor.u32 s3, s16;
	v8 =	vld [tilespmem:s6+$0x8680];
	v5 =	vmul.f32 $4.525483320e+01, v5  }
0x14c: {  	[tilespmem:s6+$0x8400] =	vst v3;
	v3 =	vmul.f32 $4.525483320e+01, v6;
	v6 =	vld [tilespmem:s3+$0x8410]  }
0x14d: {  	[tilespmem:s6+$0x8480] =	vst v5;
	v5 =	vmul.f32 $4.525483320e+01, v7;
	v7 =	vld [tilespmem:s3+$0x8490]  }
0x14e: {  	[tilespmem:s6+$0x8500] =	vst v3;
	v2 =	vmul.f32 $4.525483320e+01, v2;
	v3 =	vld [tilespmem:s3+$0x8510]  }
0x14f: {  	[tilespmem:s6+$0x8580] =	vst v5;
	v5 =	vld [tilespmem:s3+$0x8590];
	v4 =	vmul.f32 $4.525483320e+01, v4  }
0x150: {  	v8 =	vmul.f32 $4.525483320e+01, v8;
	[tilespmem:s6+$0x8600] =	vst v2;
	v2 =	vld [tilespmem:s3+$0x8610]  }
0x151: {  	v9 =	vld [tilespmem:s3+$0x8690];
	s1 =	sor.u32 $0x380, s1;
	v6 =	vmul.f32 $4.525483320e+01, v6;
	[tilespmem:s18+$0x8400] =	vst v4  }
0x152: {  	[tilespmem:s6+$0x8680] =	vst v8;
	v4 =	vmul.f32 $4.525483320e+01, v7;
	v7 =	vld [tilespmem:s1+$0x8400]  }
0x153: {  	s20 =	simm.s32 $0x1;
	v8 =	vld [tilespmem:s3+$0x8400];
	[tilespmem:s3+$0x8410] =	vst v6;
	v3 =	vmul.f32 $4.525483320e+01, v3  }
0x154: {  	s6 =	sand.u32 $0x3, s20;
	v6 =	vld [tilespmem:s3+$0x8480];
	[tilespmem:s3+$0x8490] =	vst v4;
	v4 =	vmul.f32 $4.525483320e+01, v5  }
0x155: {  	s6 =	sshll.u32 s6, $0x5;
	v5 =	vld [tilespmem:s3+$0x8500];
	[tilespmem:s3+$0x8510] =	vst v3;
	v2 =	vmul.f32 $4.525483320e+01, v2  }
0x156: {  	s13 =	sadd.s32 $0x100, s6;
	v3 =	vld [tilespmem:s3+$0x8580];
	[tilespmem:s3+$0x8590] =	vst v4;
	v4 =	vmul.f32 $4.525483320e+01, v9  }
0x157: {  	s21 =	sadd.s32 $0x10, s13;
	v9 =	vld [tilespmem:s3+$0x8600];
	[tilespmem:s3+$0x8610] =	vst v2;
	v2 =	vmul.f32 $4.525483320e+01, v7  }
0x158: {  	s19 =	simm.s32 $0x40;
	s6 =	simm.s32 $0x200;
	s26 =	sor.u32 $0x300, s21;
	v7 =	vmul.f32 $4.525483320e+01, v8;
	v8 =	vld [tilespmem:s3+$0x8680];
	[tilespmem:s3+$0x8690] =	vst v4  }
0x159: {  	s31 =	sand.u32 $0x60, s19;
	s18 =	sor.u32 $0x300, s15;
	s20 =	sand.u32 $0x3C00, s6;
	v4 =	vmul.f32 $4.525483320e+01, v6;
	[tilespmem:s1+$0x8400] =	vst v2;
	v2 =	vld [tilespmem:s26+$0x8400]  }
0x15a: {  	v6 =	vld [tilespmem:s18+$0x8400];
	v5 =	vmul.f32 $4.525483320e+01, v5;
	[tilespmem:s3+$0x8400] =	vst v7;
	s1 =	sor.u32 s31, s20  }
0x15b: {  	[tilespmem:s3+$0x8480] =	vst v4;
	v3 =	vmul.f32 $4.525483320e+01, v3;
	v4 =	vld [tilespmem:s1+$0x8410]  }
0x15c: {  	[tilespmem:s3+$0x8500] =	vst v5;
	v5 =	vmul.f32 $4.525483320e+01, v9;
	v7 =	vld [tilespmem:s1+$0x8490]  }
0x15d: {  	[tilespmem:s3+$0x8580] =	vst v3;
	v3 =	vmul.f32 $4.525483320e+01, v8;
	v8 =	vld [tilespmem:s1+$0x8510]  }
0x15e: {  	[tilespmem:s3+$0x8600] =	vst v5;
	v5 =	vld [tilespmem:s1+$0x8590];
	v2 =	vmul.f32 $4.525483320e+01, v2  }
0x15f: {  	v9 =	vld [tilespmem:s1+$0x8610];
	v6 =	vmul.f32 $4.525483320e+01, v6;
	[tilespmem:s3+$0x8680] =	vst v3  }
0x160: {  	v10 =	vld [tilespmem:s1+$0x8690];
	v3 =	vmul.f32 $4.525483320e+01, v4;
	[tilespmem:s26+$0x8400] =	vst v2;
	s26 =	sor.u32 $0x380, s21  }
0x161: {  	[tilespmem:s18+$0x8400] =	vst v6;
	v4 =	vmul.f32 $4.525483320e+01, v7;
	v7 =	vld [tilespmem:s26+$0x8400]  }
0x162: {  	v11 =	vld [tilespmem:s1+$0x8400];
	[tilespmem:s1+$0x8410] =	vst v3;
	v6 =	vmul.f32 $4.525483320e+01, v8  }
0x163: {  	s18 =	simm.s32 $0x2;
	v2 =	vld [tilespmem:s1+$0x8480];
	[tilespmem:s1+$0x8490] =	vst v4;
	v5 =	vmul.f32 $4.525483320e+01, v5  }
0x164: {  	s21 =	sand.u32 $0x3, s18;
	v3 =	vld [tilespmem:s1+$0x8500];
	v8 =	vmul.f32 $4.525483320e+01, v9;
	[tilespmem:s1+$0x8510] =	vst v6  }
0x165: {  	s15 =	sor.u32 $0x380, s15;
	s17 =	sor.u32 $0x380, s13;
	s3 =	sshll.u32 s21, $0x5;
	v4 =	vld [tilespmem:s1+$0x8580];
	v9 =	vmul.f32 $4.525483320e+01, v10;
	[tilespmem:s1+$0x8590] =	vst v5  }
0x166: {  	s21 =	sor.u32 $0x300, s13;
	s31 =	sadd.s32 $0x200, s3;
	v6 =	vld [tilespmem:s1+$0x8600];
	[tilespmem:s1+$0x8610] =	vst v8;
	v5 =	vmul.f32 $4.525483320e+01, v7  }
0x167: {  	v8 =	vmul.f32 $4.525483320e+01, v11;
	s13 =	sor.u32 $0x300, s31;
	s3 =	sor.u32 $0x380, s31;
	[tilespmem:s1+$0x8690] =	vst v9;
	s16 =	sadd.s32 $0x10, s31;
	v7 =	vld [tilespmem:s1+$0x8680]  }
.LBB2_7:
0x168: {  	s19 =	sadd.s32 $0x20, s19;
	v2 =	vmul.f32 $4.525483320e+01, v2;
	s20 =	sor.u32 $0x300, s16;
	s6 =	sadd.s32 $0x100, s6;
	v9 =	vld [tilespmem:s21+$0x8400];
	[tilespmem:s26+$0x8400] =	vst v5  }
0x169: {  	s26 =	sand.u32 $0x60, s19;
	s31 =	sand.u32 $0x3C00, s6;
	[tilespmem:s1+$0x8400] =	vst v8;
	v3 =	vmul.f32 $4.525483320e+01, v3;
	v5 =	vld [tilespmem:s20+$0x8400]  }
0x16a: {  	s26 =	sor.u32 s26, s31;
	[tilespmem:s1+$0x8480] =	vst v2;
	v2 =	vmul.f32 $4.525483320e+01, v4;
	v4 =	vld [tilespmem:s15+$0x8400]  }
0x16b: {  	v8 =	vld [tilespmem:s26+$0x8410];
	[tilespmem:s1+$0x8500] =	vst v3;
	v3 =	vmul.f32 $4.525483320e+01, v6  }
0x16c: {  	v6 =	vld [tilespmem:s26+$0x8490];
	[tilespmem:s1+$0x8580] =	vst v2;
	v2 =	vmul.f32 $4.525483320e+01, v7  }
0x16d: {  	v7 =	vld [tilespmem:s26+$0x8510];
	[tilespmem:s1+$0x8600] =	vst v3;
	v3 =	vmul.f32 $4.525483320e+01, v9  }
0x16e: {  	p1 =	slt.u32 s19, $0x7E0;
	v9 =	vld [tilespmem:s26+$0x8590];
	[tilespmem:s1+$0x8680] =	vst v2;
	v2 =	vmul.f32 $4.525483320e+01, v5;
	s1 =	smov.u32 s26  }
0x16f: {  	v5 =	vld [tilespmem:s1+$0x8610];
	[tilespmem:s21+$0x8400] =	vst v3;
	v3 =	vmul.f32 $4.525483320e+01, v4;
	s21 =	smov.u32 s13  }
0x170: {  	s26 =	sor.u32 $0x380, s16;
	v4 =	vmul.f32 $4.525483320e+01, v8;
	v8 =	vld [tilespmem:s1+$0x8690];
	[tilespmem:s20+$0x8400] =	vst v2  }
0x171: {  	v6 =	vmul.f32 $4.525483320e+01, v6;
	v10 =	vld [tilespmem:s26+$0x8400];
	[tilespmem:s15+$0x8400] =	vst v3;
	s15 =	smov.u32 s17;
	s17 =	smov.u32 s3  }
0x172: {  	v11 =	vld [tilespmem:s1+$0x8400];
	[tilespmem:s1+$0x8410] =	vst v4;
	v4 =	vmul.f32 $4.525483320e+01, v7  }
.Ltmp2:
0x173: {  	s18 =	sadd.s32 $0x1, s18;
	v2 =	vld [tilespmem:s1+$0x8480];
	[tilespmem:s1+$0x8490] =	vst v6;
	v6 =	vmul.f32 $4.525483320e+01, v9;
	(pc) =	sbr.rel @p1 .LBB2_7-.Ltmp2, $4  }
0x174: {  	s3 =	sand.u32 $0x3, s18;
	v3 =	vld [tilespmem:s1+$0x8500];
	[tilespmem:s1+$0x8510] =	vst v4;
	v5 =	vmul.f32 $4.525483320e+01, v5  }
0x175: {  	s3 =	sshll.u32 s3, $0x5;
	v4 =	vld [tilespmem:s1+$0x8580];
	[tilespmem:s1+$0x8590] =	vst v6;
	v9 =	vmul.f32 $4.525483320e+01, v8  }
0x176: {  	s16 =	sadd.s32 s3, s6;
	v6 =	vld [tilespmem:s1+$0x8600];
	[tilespmem:s1+$0x8610] =	vst v5;
	v5 =	vmul.f32 $4.525483320e+01, v10  }
0x177: {  	s13 =	sor.u32 $0x300, s16;
	s3 =	sor.u32 $0x380, s16;
	s16 =	sadd.s32 $0x10, s16;
	v8 =	vmul.f32 $4.525483320e+01, v11;
	v7 =	vld [tilespmem:s1+$0x8680];
	[tilespmem:s1+$0x8690] =	vst v9  }
0x178: {  	v2 =	vmul.f32 $4.525483320e+01, v2  }
0x179: {  	[tilespmem:s1+$0x8400] =	vst v8;
	v3 =	vmul.f32 $4.525483320e+01, v3  }
0x17a: {  	[tilespmem:s1+$0x8480] =	vst v2;
	v2 =	vmul.f32 $4.525483320e+01, v4  }
0x17b: {  	[tilespmem:s1+$0x8500] =	vst v3;
	v3 =	vmul.f32 $4.525483320e+01, v6  }
0x17c: {  	s6 =	sor.u32 $0x300, s16;
	[tilespmem:s1+$0x8580] =	vst v2;
	v2 =	vmul.f32 $4.525483320e+01, v7  }
0x17d: {  	v4 =	vld [tilespmem:s6+$0x8400];
	[tilespmem:s1+$0x8600] =	vst v3  }
0x17e: {  	v3 =	vld [tilespmem:s21+$0x8400];
	[tilespmem:s1+$0x8680] =	vst v2  }
0x17f: {  	v2 =	vld [tilespmem:s13+$0x8400];
	_ =	sdelay $0x2  }
0x180: {  	v4 =	vmul.f32 $4.525483320e+01, v4  }
0x181: {  	v3 =	vmul.f32 $4.525483320e+01, v3  }
0x182: {  	v6 =	vld [tilespmem:s15+$0x8400];
	[tilespmem:s6+$0x8400] =	vst v4;
	s6 =	sor.u32 $0x380, s16;
	v2 =	vmul.f32 $4.525483320e+01, v2  }
0x183: {  	[tilespmem:s21+$0x8400] =	vst v3;
	v3 =	vld [tilespmem:s6+$0x8400]  }
0x184: {  	v4 =	vld [tilespmem:s17+$0x8400];
	[tilespmem:s13+$0x8400] =	vst v2  }
0x185: {  	v2 =	vld [tilespmem:s3+$0x8400];
	_ =	sdelay $0x1  }
0x186: {  	v6 =	vmul.f32 $4.525483320e+01, v6  }
0x187: {  	[tilespmem:s26+$0x8400] =	vst v5;
	v3 =	vmul.f32 $4.525483320e+01, v3  }
0x188: {  	[tilespmem:s15+$0x8400] =	vst v6;
	s13 =	sadd.s32 s5, s29;
	v4 =	vmul.f32 $4.525483320e+01, v4  }
0x189: {  	s15 =	sshll.u32 s13, $0xB;
	[tilespmem:s6+$0x8400] =	vst v3;
	v2 =	vmul.f32 $4.525483320e+01, v2  }
0x18a: {  	s1 =	sand.u32 $0x1FFFF000, s15;
	[tilespmem:s17+$0x8400] =	vst v4  }
0x18b: {  	s31 =	simm.s32 $0x8400;
	s1 =	sadd.s32 s30, s1;
	[tilespmem:s3+$0x8400] =	vst v2  }
0x18c: {  	[hbm4b:s1+s4] =	stream.linear.scatter [tilespmem:s31], [sflag:$0x7], $0x4000, $0x38;
	[tilespmem:$0x10400] =	vst v63  }
0x18d: {  	s1 =	simm.s32 @!p0 $0x6  }
0x18e: {  	_ =	swait.ge @!p0 [sflag:s1], $0x4000  }
0x18f: {  	[sflag:s1] =	ssyncset.done @!p0 $0x0  }
0x190: {  	[sflag:s1] =	ssyncadd.s32 @!p0 $0xFFFFC000  }
0x191: {  	v2 =	vld.msk @!p0 [tilespmem:s0+$0x28], $0xff;
	_ =	sdelay $0x4  }
0x192: {  	v3 =	vshll.u32 @!p0 v2, $0x4  }
0x193: {  	v4 =	vlaneseq.u32 @!p0;
	v2 =	vand.u32 @!p0 $0x7, v2;
	v3 =	vand.u32 @!p0 $0xFFFFFF80, v3  }
0x194: {  	v2 =	vor.u32 @!p0 v2, v3;
	v3 =	vand.u32 @!p0 $0x7, v4;
	v4 =	vshrl.u32 @!p0 v4, $0x3  }
0x195: {  	v2 =	vperm.xlane @!p0 v2, v3;
	v3 =	vmul.u32 @!p0 $0x8, v4;
	_ =	sdelay $0x1  }
0x196: {  	v2 =	vadd.s32 @!p0 v3, v2;
	_ =	sdelay $0x3  }
0x197: {  	s1 =	simm.s32 @!p0 $0x4400;
	s0 =	simm.s32 @!p0 $0x0  }
0x198: {  	[tilespmem:s1], [sflag:$0x2] =	stream.indirect_vreg.gather @!p0 [hbm4b:s2+s0], $0x80, v2, vm1, $0xb8;
	[tilespmem:$0x10400] =	vst v63  }
0x199: {  	s1 =	simm.s32 @!p0 $0x4C00  }
0x19a: {  	[tilespmem:s1], [sflag:$0x2] =	stream.indirect_vreg.gather @!p0 [hbm4b:s7+s0], $0x80, v2, vm1, $0xb8;
	[tilespmem:$0x10400] =	vst v63  }
0x19b: {  	s1 =	simm.s32 @!p0 $0x5400  }
0x19c: {  	[tilespmem:s1], [sflag:$0x2] =	stream.indirect_vreg.gather @!p0 [hbm4b:s8+s0], $0x80, v2, vm1, $0xb8;
	[tilespmem:$0x10400] =	vst v63  }
0x19d: {  	s1 =	simm.s32 @!p0 $0x5C00  }
0x19e: {  	[tilespmem:s1], [sflag:$0x2] =	stream.indirect_vreg.gather @!p0 [hbm4b:s9+s0], $0x80, v2, vm1, $0xb8;
	[tilespmem:$0x10400] =	vst v63  }
0x19f: {  	s1 =	simm.s32 @!p0 $0x6400  }
0x1a0: {  	[tilespmem:s1], [sflag:$0x2] =	stream.indirect_vreg.gather @!p0 [hbm4b:s10+s0], $0x80, v2, vm1, $0xb8;
	[tilespmem:$0x10400] =	vst v63  }
0x1a1: {  	s1 =	simm.s32 @!p0 $0x6C00  }
0x1a2: {  	[tilespmem:s1], [sflag:$0x2] =	stream.indirect_vreg.gather @!p0 [hbm4b:s11+s0], $0x80, v2, vm1, $0xb8;
	[tilespmem:$0x10400] =	vst v63  }
0x1a3: {  	s1 =	simm.s32 @!p0 $0x7400  }
0x1a4: {  	[tilespmem:s1], [sflag:$0x2] =	stream.indirect_vreg.gather @!p0 [hbm4b:s12+s0], $0x80, v2, vm1, $0xb8;
	[tilespmem:$0x10400] =	vst v63  }
0x1a5: {  	s1 =	simm.s32 @!p0 $0x7C00  }
0x1a6: {  	[tilespmem:s1], [sflag:$0x2] =	stream.indirect_vreg.gather @!p0 [hbm4b:s14+s0], $0x80, v2, vm1, $0xb8;
	[tilespmem:$0x10400] =	vst v63  }
0x1a7: {  	s16 =	simm.s32 $0x0;
	s17 =	simm.s32 $0x0;
	_ =	swait.ge [sflag:s24], $0x4000  }
0x1a8: {  	s18 =	sand.u32 $0x3C00, s16;
	s1 =	sand.u32 $0x60, s17;
	[sflag:s24] =	ssyncset.done $0x0  }
0x1a9: {  	s1 =	sor.u32 s1, s18;
	[sflag:s24] =	ssyncadd.s32 $0xFFFFC000  }
0x1aa: {  	v2 =	vld [tilespmem:s1+$0xC410]  }
0x1ab: {  	v3 =	vld [tilespmem:s1+$0xC490]  }
0x1ac: {  	v4 =	vld [tilespmem:s1+$0xC510]  }
0x1ad: {  	v5 =	vld [tilespmem:s1+$0xC590]  }
0x1ae: {  	v6 =	vld [tilespmem:s1+$0xC610]  }
0x1af: {  	v7 =	vld [tilespmem:s1+$0xC690];
	v2 =	vmul.f32 $4.525483320e+01, v2  }
0x1b0: {  	v3 =	vmul.f32 $4.525483320e+01, v3  }
0x1b1: {  	[tilespmem:s1+$0xC410] =	vst v2;
	v2 =	vmul.f32 $4.525483320e+01, v4  }
0x1b2: {  	s0 =	sand.u32 $0x3, s16;
	v4 =	vld [tilespmem:s1+$0xC400];
	[tilespmem:s1+$0xC490] =	vst v3;
	v3 =	vmul.f32 $4.525483320e+01, v5  }
0x1b3: {  	s0 =	sshll.u32 s0, $0x5;
	v5 =	vld [tilespmem:s1+$0xC480];
	[tilespmem:s1+$0xC510] =	vst v2;
	v2 =	vmul.f32 $4.525483320e+01, v6  }
0x1b4: {  	s15 =	sadd.s32 $0x0, s0;
	v6 =	vld [tilespmem:s1+$0xC500];
	[tilespmem:s1+$0xC590] =	vst v3;
	v3 =	vmul.f32 $4.525483320e+01, v7  }
0x1b5: {  	s0 =	sadd.s32 $0x10, s15;
	v7 =	vld [tilespmem:s1+$0xC580];
	[tilespmem:s1+$0xC610] =	vst v2  }
0x1b6: {  	s19 =	simm.s32 $0x20;
	s21 =	simm.s32 $0x100;
	s20 =	sor.u32 $0x300, s0;
	v2 =	vld [tilespmem:s1+$0xC600];
	[tilespmem:s1+$0xC690] =	vst v3  }
0x1b7: {  	s13 =	sand.u32 $0x3C00, s21;
	s3 =	sand.u32 $0x60, s19;
	v3 =	vmul.f32 $4.525483320e+01, v4;
	v4 =	vld [tilespmem:s20+$0xC400]  }
0x1b8: {  	s3 =	sor.u32 s3, s13;
	v8 =	vld [tilespmem:s1+$0xC680];
	v5 =	vmul.f32 $4.525483320e+01, v5  }
0x1b9: {  	[tilespmem:s1+$0xC400] =	vst v3;
	v3 =	vmul.f32 $4.525483320e+01, v6;
	v6 =	vld [tilespmem:s3+$0xC410]  }
0x1ba: {  	[tilespmem:s1+$0xC480] =	vst v5;
	v5 =	vmul.f32 $4.525483320e+01, v7;
	v7 =	vld [tilespmem:s3+$0xC490]  }
0x1bb: {  	[tilespmem:s1+$0xC500] =	vst v3;
	v2 =	vmul.f32 $4.525483320e+01, v2;
	v3 =	vld [tilespmem:s3+$0xC510]  }
0x1bc: {  	[tilespmem:s1+$0xC580] =	vst v5;
	v5 =	vld [tilespmem:s3+$0xC590];
	v4 =	vmul.f32 $4.525483320e+01, v4  }
0x1bd: {  	v8 =	vmul.f32 $4.525483320e+01, v8;
	[tilespmem:s1+$0xC600] =	vst v2;
	v2 =	vld [tilespmem:s3+$0xC610]  }
0x1be: {  	v9 =	vld [tilespmem:s3+$0xC690];
	s0 =	sor.u32 $0x380, s0;
	v6 =	vmul.f32 $4.525483320e+01, v6;
	[tilespmem:s20+$0xC400] =	vst v4  }
0x1bf: {  	[tilespmem:s1+$0xC680] =	vst v8;
	v4 =	vmul.f32 $4.525483320e+01, v7;
	v7 =	vld [tilespmem:s0+$0xC400]  }
0x1c0: {  	s26 =	simm.s32 $0x1;
	v8 =	vld [tilespmem:s3+$0xC400];
	[tilespmem:s3+$0xC410] =	vst v6;
	v3 =	vmul.f32 $4.525483320e+01, v3  }
0x1c1: {  	s1 =	sand.u32 $0x3, s26;
	v6 =	vld [tilespmem:s3+$0xC480];
	[tilespmem:s3+$0xC490] =	vst v4;
	v4 =	vmul.f32 $4.525483320e+01, v5  }
0x1c2: {  	s1 =	sshll.u32 s1, $0x5;
	v5 =	vld [tilespmem:s3+$0xC500];
	[tilespmem:s3+$0xC510] =	vst v3;
	v2 =	vmul.f32 $4.525483320e+01, v2  }
0x1c3: {  	s13 =	sadd.s32 $0x100, s1;
	v3 =	vld [tilespmem:s3+$0xC580];
	[tilespmem:s3+$0xC590] =	vst v4;
	v4 =	vmul.f32 $4.525483320e+01, v9  }
0x1c4: {  	s29 =	sadd.s32 $0x10, s13;
	v9 =	vld [tilespmem:s3+$0xC600];
	[tilespmem:s3+$0xC610] =	vst v2;
	v2 =	vmul.f32 $4.525483320e+01, v7  }
0x1c5: {  	s6 =	simm.s32 $0x200;
	s1 =	simm.s32 $0x40;
	s20 =	sor.u32 $0x300, s29;
	v7 =	vmul.f32 $4.525483320e+01, v8;
	v8 =	vld [tilespmem:s3+$0xC680];
	[tilespmem:s3+$0xC690] =	vst v4  }
0x1c6: {  	s19 =	sand.u32 $0x3C00, s6;
	s18 =	sor.u32 $0x300, s15;
	s21 =	sand.u32 $0x60, s1;
	v4 =	vmul.f32 $4.525483320e+01, v6;
	[tilespmem:s0+$0xC400] =	vst v2;
	v2 =	vld [tilespmem:s20+$0xC400]  }
0x1c7: {  	v6 =	vld [tilespmem:s18+$0xC400];
	v5 =	vmul.f32 $4.525483320e+01, v5;
	[tilespmem:s3+$0xC400] =	vst v7;
	s0 =	sor.u32 s21, s19  }
0x1c8: {  	[tilespmem:s3+$0xC480] =	vst v4;
	v3 =	vmul.f32 $4.525483320e+01, v3;
	v4 =	vld [tilespmem:s0+$0xC410]  }
0x1c9: {  	[tilespmem:s3+$0xC500] =	vst v5;
	v5 =	vmul.f32 $4.525483320e+01, v9;
	v7 =	vld [tilespmem:s0+$0xC490]  }
0x1ca: {  	[tilespmem:s3+$0xC580] =	vst v3;
	v3 =	vmul.f32 $4.525483320e+01, v8;
	v8 =	vld [tilespmem:s0+$0xC510]  }
0x1cb: {  	[tilespmem:s3+$0xC600] =	vst v5;
	v5 =	vld [tilespmem:s0+$0xC590];
	v2 =	vmul.f32 $4.525483320e+01, v2  }
0x1cc: {  	v9 =	vld [tilespmem:s0+$0xC610];
	v6 =	vmul.f32 $4.525483320e+01, v6;
	[tilespmem:s3+$0xC680] =	vst v3  }
0x1cd: {  	s21 =	sor.u32 $0x380, s29;
	v10 =	vld [tilespmem:s0+$0xC690];
	v3 =	vmul.f32 $4.525483320e+01, v4;
	[tilespmem:s20+$0xC400] =	vst v2  }
0x1ce: {  	[tilespmem:s18+$0xC400] =	vst v6;
	v4 =	vmul.f32 $4.525483320e+01, v7;
	v7 =	vld [tilespmem:s21+$0xC400]  }
0x1cf: {  	v11 =	vld [tilespmem:s0+$0xC400];
	[tilespmem:s0+$0xC410] =	vst v3;
	v6 =	vmul.f32 $4.525483320e+01, v8  }
0x1d0: {  	s18 =	simm.s32 $0x2;
	v2 =	vld [tilespmem:s0+$0xC480];
	[tilespmem:s0+$0xC490] =	vst v4;
	v5 =	vmul.f32 $4.525483320e+01, v5  }
0x1d1: {  	s26 =	sand.u32 $0x3, s18;
	v3 =	vld [tilespmem:s0+$0xC500];
	v8 =	vmul.f32 $4.525483320e+01, v9;
	[tilespmem:s0+$0xC510] =	vst v6  }
0x1d2: {  	s15 =	sor.u32 $0x380, s15;
	s17 =	sor.u32 $0x380, s13;
	s3 =	sshll.u32 s26, $0x5;
	v4 =	vld [tilespmem:s0+$0xC580];
	v9 =	vmul.f32 $4.525483320e+01, v10;
	[tilespmem:s0+$0xC590] =	vst v5  }
0x1d3: {  	s19 =	sor.u32 $0x300, s13;
	s29 =	sadd.s32 $0x200, s3;
	v6 =	vld [tilespmem:s0+$0xC600];
	[tilespmem:s0+$0xC610] =	vst v8;
	v5 =	vmul.f32 $4.525483320e+01, v7  }
0x1d4: {  	v8 =	vmul.f32 $4.525483320e+01, v11;
	s13 =	sor.u32 $0x300, s29;
	s3 =	sor.u32 $0x380, s29;
	[tilespmem:s0+$0xC690] =	vst v9;
	s16 =	sadd.s32 $0x10, s29;
	v7 =	vld [tilespmem:s0+$0xC680]  }
.LBB2_9:
0x1d5: {  	s1 =	sadd.s32 $0x20, s1;
	v2 =	vmul.f32 $4.525483320e+01, v2;
	s20 =	sor.u32 $0x300, s16;
	s6 =	sadd.s32 $0x100, s6;
	v9 =	vld [tilespmem:s19+$0xC400];
	[tilespmem:s21+$0xC400] =	vst v5  }
0x1d6: {  	s21 =	sand.u32 $0x60, s1;
	s26 =	sand.u32 $0x3C00, s6;
	[tilespmem:s0+$0xC400] =	vst v8;
	v3 =	vmul.f32 $4.525483320e+01, v3;
	v5 =	vld [tilespmem:s20+$0xC400]  }
0x1d7: {  	s21 =	sor.u32 s21, s26;
	[tilespmem:s0+$0xC480] =	vst v2;
	v2 =	vmul.f32 $4.525483320e+01, v4;
	v4 =	vld [tilespmem:s15+$0xC400]  }
0x1d8: {  	v8 =	vld [tilespmem:s21+$0xC410];
	[tilespmem:s0+$0xC500] =	vst v3;
	v3 =	vmul.f32 $4.525483320e+01, v6  }
0x1d9: {  	v6 =	vld [tilespmem:s21+$0xC490];
	[tilespmem:s0+$0xC580] =	vst v2;
	v2 =	vmul.f32 $4.525483320e+01, v7  }
0x1da: {  	v7 =	vld [tilespmem:s21+$0xC510];
	[tilespmem:s0+$0xC600] =	vst v3;
	v3 =	vmul.f32 $4.525483320e+01, v9  }
0x1db: {  	p0 =	slt.u32 s1, $0x7E0;
	v9 =	vld [tilespmem:s21+$0xC590];
	[tilespmem:s0+$0xC680] =	vst v2;
	v2 =	vmul.f32 $4.525483320e+01, v5;
	s0 =	smov.u32 s21  }
0x1dc: {  	v5 =	vld [tilespmem:s0+$0xC610];
	[tilespmem:s19+$0xC400] =	vst v3;
	v3 =	vmul.f32 $4.525483320e+01, v4;
	s19 =	smov.u32 s13  }
0x1dd: {  	s21 =	sor.u32 $0x380, s16;
	v4 =	vmul.f32 $4.525483320e+01, v8;
	v8 =	vld [tilespmem:s0+$0xC690];
	[tilespmem:s20+$0xC400] =	vst v2  }
0x1de: {  	v6 =	vmul.f32 $4.525483320e+01, v6;
	v10 =	vld [tilespmem:s21+$0xC400];
	[tilespmem:s15+$0xC400] =	vst v3;
	s15 =	smov.u32 s17;
	s17 =	smov.u32 s3  }
0x1df: {  	v11 =	vld [tilespmem:s0+$0xC400];
	[tilespmem:s0+$0xC410] =	vst v4;
	v4 =	vmul.f32 $4.525483320e+01, v7  }
.Ltmp3:
0x1e0: {  	s18 =	sadd.s32 $0x1, s18;
	v2 =	vld [tilespmem:s0+$0xC480];
	[tilespmem:s0+$0xC490] =	vst v6;
	v6 =	vmul.f32 $4.525483320e+01, v9;
	(pc) =	sbr.rel @p0 .LBB2_9-.Ltmp3, $4  }
0x1e1: {  	s3 =	sand.u32 $0x3, s18;
	v3 =	vld [tilespmem:s0+$0xC500];
	[tilespmem:s0+$0xC510] =	vst v4;
	v5 =	vmul.f32 $4.525483320e+01, v5  }
0x1e2: {  	s3 =	sshll.u32 s3, $0x5;
	v4 =	vld [tilespmem:s0+$0xC580];
	[tilespmem:s0+$0xC590] =	vst v6;
	v9 =	vmul.f32 $4.525483320e+01, v8  }
0x1e3: {  	s16 =	sadd.s32 s3, s6;
	v6 =	vld [tilespmem:s0+$0xC600];
	[tilespmem:s0+$0xC610] =	vst v5;
	v5 =	vmul.f32 $4.525483320e+01, v10  }
0x1e4: {  	s13 =	sor.u32 $0x300, s16;
	s3 =	sor.u32 $0x380, s16;
	s16 =	sadd.s32 $0x10, s16;
	v8 =	vmul.f32 $4.525483320e+01, v11;
	v7 =	vld [tilespmem:s0+$0xC680];
	[tilespmem:s0+$0xC690] =	vst v9  }
0x1e5: {  	v2 =	vmul.f32 $4.525483320e+01, v2  }
0x1e6: {  	[tilespmem:s0+$0xC400] =	vst v8;
	v3 =	vmul.f32 $4.525483320e+01, v3  }
0x1e7: {  	[tilespmem:s0+$0xC480] =	vst v2;
	v2 =	vmul.f32 $4.525483320e+01, v4  }
0x1e8: {  	[tilespmem:s0+$0xC500] =	vst v3;
	v3 =	vmul.f32 $4.525483320e+01, v6  }
0x1e9: {  	s1 =	sor.u32 $0x300, s16;
	[tilespmem:s0+$0xC580] =	vst v2;
	v2 =	vmul.f32 $4.525483320e+01, v7  }
0x1ea: {  	v61 =	vld [tilespmem:s1+$0xC400];
	[tilespmem:s0+$0xC600] =	vst v3  }
0x1eb: {  	v3 =	vld [tilespmem:s19+$0xC400];
	[tilespmem:s0+$0xC680] =	vst v2  }
0x1ec: {  	v2 =	vld [tilespmem:s13+$0xC400];
	_ =	sdelay $0x2  }
0x1ed: {  	v4 =	vmul.f32 $4.525483320e+01, v61  }
0x1ee: {  	v3 =	vmul.f32 $4.525483320e+01, v3  }
0x1ef: {  	v62 =	vld [tilespmem:s15+$0xC400];
	s26 =	sor.u32 $0x380, s16;
	[tilespmem:s1+$0xC400] =	vst v4;
	v2 =	vmul.f32 $4.525483320e+01, v2  }
0x1f0: {  	[tilespmem:s19+$0xC400] =	vst v3;
	v3 =	vld [tilespmem:s26+$0xC400]  }
0x1f1: {  	v63 =	vld [tilespmem:s17+$0xC400];
	[tilespmem:s13+$0xC400] =	vst v2  }
0x1f2: {  	v2 =	vld [tilespmem:s3+$0xC400];
	_ =	sdelay $0x1  }
0x1f3: {  	s25 =	sadd.s32 $0x1, s25;
	v6 =	vmul.f32 $4.525483320e+01, v62  }
0x1f4: {  	[tilespmem:s21+$0xC400] =	vst v5;
	p0 =	sne.s32 s25, $0x20;
	v3 =	vmul.f32 $4.525483320e+01, v3  }
.Ltmp4:
0x1f5: {  	[tilespmem:s15+$0xC400] =	vst v6;
	v4 =	vmul.f32 $4.525483320e+01, v63;
	(pc) =	sbr.rel @p0 .LBB2_2-.Ltmp4, $4  }
0x1f6: {  	s28 =	sadd.s32 s5, s28;
	[tilespmem:s26+$0xC400] =	vst v3;
	v2 =	vmul.f32 $4.525483320e+01, v2  }
0x1f7: {  	s0 =	sshll.u32 s28, $0xB;
	[tilespmem:s17+$0xC400] =	vst v4  }
0x1f8: {  	s29 =	simm.s32 $0xC400;
	s0 =	sadd.s32 s30, s0;
	[tilespmem:s3+$0xC400] =	vst v2  }
0x1f9: {  	[hbm4b:s0+s4] =	stream.linear.scatter [tilespmem:s29], [sflag:$0x8], $0x4000, $0x38;
	[tilespmem:$0x10400] =	vst v63  }
0x1fa: {  	s0 =	simm.s32 $0x5  }
0x1fb: {  	_ =	swait.ge [sflag:s0], $0x4000  }
0x1fc: {  	[sflag:s0] =	ssyncset.done $0x0  }
0x1fd: {  	s26 =	simm.s32 $0x6;
	[sflag:s0] =	ssyncadd.s32 $0xFFFFC000  }
0x1fe: {  	_ =	swait.ge [sflag:s26], $0x4000  }
0x1ff: {  	[sflag:s26] =	ssyncset.done $0x0  }
0x200: {  	s28 =	simm.s32 $0x7;
	[sflag:s26] =	ssyncadd.s32 $0xFFFFC000  }
0x201: {  	_ =	swait.ge [sflag:s28], $0x4000  }
0x202: {  	[sflag:s28] =	ssyncset.done $0x0  }
0x203: {  	s1 =	simm.s32 $0x8;
	[sflag:s28] =	ssyncadd.s32 $0xFFFFC000  }
0x204: {  	_ =	swait.ge [sflag:s1], $0x4000  }
0x205: {  	s3 =	rddreg [dreg:$0x8]  }
0x206: {  	s29 =	rddreg [dreg:$0x6];
	s3 =	sadd.s32 $0x1, s3  }
0x207: {  	p0 =	sne.s32 s3, s29  }
.Ltmp5:
0x208: {  	_ = 	snop;
	(pc) =	sbr.rel @p0 .LBB2_1-.Ltmp5, $3  }
0x209: {  	_ =	sdelay $0x1  }
0x20a: {  	[sflag:s1] =	ssyncset.done $0x0  }
0x20b: {  	[sflag:s1] =	ssyncadd.s32 $0xFFFFC000  }
0x20c: {  	_ =	sfence.sel $0x180000  }
0x20d: {  	[bflag:$0x0] =	sbarrier.arrive $0xFFFF  }
0x20e: {  	_ =	strace $0x90000047  }
0x20f: {  	s0 =	stileid.u32;
	[bflag:$0x2] =	sbarrier.arrive $0xFFFF  }
0x210: {  	p0 =	sne.s32 s0, $0x0;
	s0 =	rddreg [dreg:$0x3]  }
0x211: {  	s0 =	sadd.s32 @!p0 $0x100000, s0  }
0x212: {  	[sflag:s0] =	ssyncadd.tile.s32 @!p0 $0x1;
	_ =	shalt  }
.Lfunc_end2:
_tile_overlayer_lowered:
.L_overlay_start_2:
0x213: {  	(tag) =	ssettag $0x2  }
0x214: {  	s0 =	rddreg [dreg:$0x0];
	s2 =	stileid.u32  }
0x215: {  	s1 =	rddreg [dreg:$0x1];
	p0 =	sne.s32 s2, $0x0  }
0x216: {  	s3 =	rddreg [dreg:$0x2];
	[bflag:$0x3] =	sbarrier.arrive $0xFFFF;
	s2 =	simm.s32 @!p0 $0x1C09  }
0x217: {  	[timem:s3], [sflag:s2] =	dma.local @!p0 [hbm:s0], s1  }
0x218: {  	s0 =	simm.s32 @!p0 $0x9  }
0x219: {  	_ =	swait.ge @!p0 [sflag:s0], s1  }
0x21a: {  	s1 =	ssub.s32 @!p0 $0x0, s1;
	[sflag:s0] =	ssyncset.done @!p0 $0x0  }
0x21b: {  	[sflag:s0] =	ssyncadd.s32 @!p0 s1  }
0x21c: {  	[bflag:$0x3] =	sbarrier.arrive $0xFFFF  }
0x21d: {  	_ =	shalt  }

</sc_bundles>
